<compile_context>
chip_gen: v7x
topology: tpu7x:2x2x1
jax: 0.10.2.dev20260603
libtpu: 0.0.44.dev20260713+nightly
codegen_flags: <defaults>
</compile_context>

<pallas_src>
import jax
import jax.numpy as jnp
from jax import lax
from jax.experimental import pallas as pl
from jax.experimental.pallas import tpu as pltpu
from jax.experimental.pallas import tpu_sc as plsc

_W = 128
_K = 8
_NTILES = 32


def kernel(x, weight):
    B, H = x.shape
    N, D = weight.shape
    num_windows = B * H // _W
    assert num_windows % (_NTILES * _K) == 0 and B % _W == 0
    wpt = num_windows // _NTILES
    nbt = B // _W

    idx_t = x.T.astype(jnp.int32)
    mesh = plsc.VectorSubcoreMesh(core_axis_name="core", subcore_axis_name="subcore")

    @pl.kernel(
        out_type=jax.ShapeDtypeStruct((H, B, D), weight.dtype),
        mesh=mesh,
        compiler_params=pltpu.CompilerParams(
            use_tc_tiling_on_sc=False, needs_layout_passes=False
        ),
        scratch_types=[
            pltpu.VMEM((_K, _W), jnp.int32),
            pltpu.VMEM((_K, _W, D), jnp.float32),
            pltpu.SemaphoreType.DMA,
            pltpu.SemaphoreType.DMA,
            pltpu.SemaphoreType.DMA,
        ],
    )
    def gather_kernel(w_hbm, i_hbm, o_hbm, idx_v, g_v, isem, gsem, osem):
        wid = lax.axis_index("core") * 16 + lax.axis_index("subcore")
        w_base = wid * wpt

        def win_coords(wl):
            wg = w_base + wl
            return wg // nbt, lax.rem(wg, nbt)

        def fire_idx(wl, s):
            h, bt = win_coords(wl)
            return pltpu.async_copy(
                i_hbm.at[h, pl.ds(bt * _W, _W)], idx_v.at[s], isem
            )

        for s in range(_K):
            fire_idx(jnp.int32(s), s)

        @pl.loop(0, wpt, step=_K)
        def _(w0):
            gathers = []
            for s in range(_K):
                pltpu.make_async_copy(
                    i_hbm.at[0, pl.ds(0, _W)], idx_v.at[s], isem
                ).wait()
                gathers.append(
                    pltpu.async_copy(w_hbm.at[idx_v.at[s]], g_v.at[s], gsem)
                )
            stores = []
            for s in range(_K):
                wl = w0 + s
                h, bt = win_coords(wl)
                gathers[s].wait()
                stores.append(
                    pltpu.async_copy(
                        g_v.at[s], o_hbm.at[h, pl.ds(bt * _W, _W), :], osem
                    )
                )
                nxt = wl + _K

                @pl.when(nxt < wpt)
                def _():
                    fire_idx(nxt, s)

            for s in range(_K):
                stores[s].wait()

    out = gather_kernel(weight, idx_t)
    return jnp.transpose(out, (1, 0, 2))

# --- scband reference (transcript-rebuilt; emitter-appended) ---
"""Pipeline reference for scband-manifold-embedding-7636451852806 (READ-ONLY COPY).

The authoritative reference and input builder live on the scoring server;
editing this copy changes nothing except your own understanding.
"""

import jax, jax.numpy as jnp
import numpy as np

NUM_EMBEDDINGS = 1000000
EMBEDDING_DIM = 32
BATCH = 16384
HIST_LEN = 50

def setup_inputs(seed: int = 0) -> dict:
    key = jax.random.key(seed)
    k_idx, k_w = jax.random.split(key)
    x = jax.random.randint(k_idx, (BATCH, HIST_LEN), 0, NUM_EMBEDDINGS, dtype=jnp.int64 if jax.config.jax_enable_x64 else jnp.int32)
    # Embedding table initialized ~ manifold.random_normal around the origin;
    # for the PoincareBall with small std this is a normal sample (expmap_0 of a
    # gaussian tangent vector). We keep the faithful math: sample in tangent space
    # at origin then project (expmap0 for Poincare ball with curvature k=1).
    tangent = jax.random.normal(k_w, (NUM_EMBEDDINGS, EMBEDDING_DIM), dtype=jnp.float32)
    # expmap0 on Poincare ball (c=1): tanh(|v|) * v / |v|
    norm = jnp.linalg.norm(tangent, axis=-1, keepdims=True)
    norm = jnp.maximum(norm, 1e-15)
    weight = jnp.tanh(norm) * tangent / norm
    return {"x": x, "weight": weight}

def reference(x, weight):
    # forward: return self.weight[x]  (pure gather)
    return jnp.take(weight, x, axis=0)

if __name__ == "__main__":
    import jax
    _d = setup_inputs()
    print(jax.jit(kernel)(*tuple(_d.values())))

</pallas_src>

<mosaic_0001>
#map = affine_map<(d0, d1) -> (0, 0)>
#map1 = affine_map<(d0, d1) -> (0, 0, 0)>
module attributes {stable_mosaic.version = 14 : i64} {
  func.func @gather_kernel(%arg0: i32, %arg1: i32, %arg2: memref<1000000x32xf32, #tpu.memory_space<hbm>>, %arg3: memref<50x16384xi32, #tpu.memory_space<hbm>>, %arg4: memref<50x16384x32xf32, #tpu.memory_space<hbm>>, %arg5: memref<8x128xi32, #tpu.memory_space<vmem>>, %arg6: memref<8x128x32xf32, #tpu.memory_space<vmem>>, %arg7: memref<!tpu.dma_semaphore, #tpu.memory_space<semaphore_mem>>, %arg8: memref<!tpu.dma_semaphore, #tpu.memory_space<semaphore_mem>>, %arg9: memref<!tpu.dma_semaphore, #tpu.memory_space<semaphore_mem>>) attributes {dimension_semantics = [#tpu.dimension_semantics<core_parallel>, #tpu.dimension_semantics<subcore_parallel>], iteration_bounds = array<i64: 2, 16>, scalar_prefetch = 0 : i64, scratch_operands = 5 : i64, tpu.core_type = #tpu.core_type<sc_vector_subcore>, window_params = [{transform_indices = #map}, {transform_indices = #map}, {transform_indices = #map1}]} {
    %mul3A = arith.constant 16 : i32
    %mul3A_0 = arith.muli %arg0, %mul3A : i32
    %add3A = arith.addi %mul3A_0, %arg1 : i32
    %mul3A_1 = arith.constant 200 : i32
    %mul3A_2 = arith.muli %add3A, %mul3A_1 : i32
    %add3A_3 = arith.constant 0 : i32
    %add3A_4 = arith.addi %mul3A_2, %add3A_3 : i32
    %jit3A = arith.constant 128 : i32
    %div3A = arith.divsi %add3A_4, %jit3A : i32
    %sign3A = arith.constant 0 : i32
    %sign3A_5 = arith.cmpi sgt, %add3A_4, %sign3A : i32
    %sign3A_6 = arith.extui %sign3A_5 : i1 to i32
    %sign3A_7 = arith.constant 0 : i32
    %sign3A_8 = arith.cmpi slt, %add3A_4, %sign3A_7 : i32
    %sign3A_9 = arith.extui %sign3A_8 : i1 to i32
    %sign3A_10 = arith.subi %sign3A_6, %sign3A_9 : i32
    %sign3A_11 = arith.constant 0 : i32
    %sign3A_12 = arith.cmpi sgt, %jit3A, %sign3A_11 : i32
    %sign3A_13 = arith.extui %sign3A_12 : i1 to i32
    %sign3A_14 = arith.constant 0 : i32
    %sign3A_15 = arith.cmpi slt, %jit3A, %sign3A_14 : i32
    %sign3A_16 = arith.extui %sign3A_15 : i1 to i32
    %sign3A_17 = arith.subi %sign3A_13, %sign3A_16 : i32
    %ne3A = arith.cmpi ne, %sign3A_10, %sign3A_17 : i32
    %rem3A = arith.remsi %add3A_4, %jit3A : i32
    %ne3A_18 = arith.constant 0 : i32
    %ne3A_19 = arith.cmpi ne, %rem3A, %ne3A_18 : i32
    %and3A = arith.andi %ne3A, %ne3A_19 : i1
    %sub3A = arith.constant 1 : i32
    %sub3A_20 = arith.subi %div3A, %sub3A : i32
    %select_n3A = arith.select %and3A, %sub3A_20, %div3A : i32
    %rem3A_21 = arith.constant 128 : i32
    %rem3A_22 = arith.remsi %add3A_4, %rem3A_21 : i32
    %mul3A_23 = arith.constant 128 : i32
    %mul3A_24 = arith.muli %rem3A_22, %mul3A_23 : i32
    %dma_start3A = arith.constant 0 : i32
    %dma_start3A_25 = arith.constant 0 : i32
    %dma_start3A_26 = tpu.memref_slice %arg5[%dma_start3A, %dma_start3A_25] : memref<8x128xi32, #tpu.memory_space<vmem>> -> memref<1x128xi32, #tpu.memory_space<vmem>>
    %dma_start3A_27 = tpu.memref_squeeze %dma_start3A_26 : memref<1x128xi32, #tpu.memory_space<vmem>> -> memref<128xi32, #tpu.memory_space<vmem>>
    %dma_start3A_28 = tpu.memref_slice %arg3[%select_n3A, %mul3A_24] : memref<50x16384xi32, #tpu.memory_space<hbm>> -> memref<1x128xi32, #tpu.memory_space<hbm>>
    %dma_start3A_29 = tpu.memref_squeeze %dma_start3A_28 : memref<1x128xi32, #tpu.memory_space<hbm>> -> memref<128xi32, #tpu.memory_space<hbm>>
    %dma_start3A_30 = arith.constant 0 : i32
    %dma_start3A_31 = tpu.memref_slice %arg5[%dma_start3A, %dma_start3A_30] : memref<8x128xi32, #tpu.memory_space<vmem>> -> memref<1x128xi32, #tpu.memory_space<vmem>>
    %dma_start3A_32 = tpu.memref_squeeze %dma_start3A_31 : memref<1x128xi32, #tpu.memory_space<vmem>> -> memref<128xi32, #tpu.memory_space<vmem>>
    %dma_start3A_33 = tpu.memref_slice %arg3[%select_n3A, %mul3A_24] : memref<50x16384xi32, #tpu.memory_space<hbm>> -> memref<1x128xi32, #tpu.memory_space<hbm>>
    %dma_start3A_34 = tpu.memref_squeeze %dma_start3A_33 : memref<1x128xi32, #tpu.memory_space<hbm>> -> memref<128xi32, #tpu.memory_space<hbm>>
    tpu.enqueue_dma source(%dma_start3A_34 : memref<128xi32, #tpu.memory_space<hbm>>) target(%dma_start3A_32 : memref<128xi32, #tpu.memory_space<vmem>>) target_semaphore(%arg7 : memref<!tpu.dma_semaphore, #tpu.memory_space<semaphore_mem>>)
    %add3A_35 = arith.constant 1 : i32
    %add3A_36 = arith.addi %mul3A_2, %add3A_35 : i32
    %jit3A_37 = arith.constant 128 : i32
    %div3A_38 = arith.divsi %add3A_36, %jit3A_37 : i32
    %sign3A_39 = arith.constant 0 : i32
    %sign3A_40 = arith.cmpi sgt, %add3A_36, %sign3A_39 : i32
    %sign3A_41 = arith.extui %sign3A_40 : i1 to i32
    %sign3A_42 = arith.constant 0 : i32
    %sign3A_43 = arith.cmpi slt, %add3A_36, %sign3A_42 : i32
    %sign3A_44 = arith.extui %sign3A_43 : i1 to i32
    %sign3A_45 = arith.subi %sign3A_41, %sign3A_44 : i32
    %sign3A_46 = arith.constant 0 : i32
    %sign3A_47 = arith.cmpi sgt, %jit3A_37, %sign3A_46 : i32
    %sign3A_48 = arith.extui %sign3A_47 : i1 to i32
    %sign3A_49 = arith.constant 0 : i32
    %sign3A_50 = arith.cmpi slt, %jit3A_37, %sign3A_49 : i32
    %sign3A_51 = arith.extui %sign3A_50 : i1 to i32
    %sign3A_52 = arith.subi %sign3A_48, %sign3A_51 : i32
    %ne3A_53 = arith.cmpi ne, %sign3A_45, %sign3A_52 : i32
    %rem3A_54 = arith.remsi %add3A_36, %jit3A_37 : i32
    %ne3A_55 = arith.constant 0 : i32
    %ne3A_56 = arith.cmpi ne, %rem3A_54, %ne3A_55 : i32
    %and3A_57 = arith.andi %ne3A_53, %ne3A_56 : i1
    %sub3A_58 = arith.constant 1 : i32
    %sub3A_59 = arith.subi %div3A_38, %sub3A_58 : i32
    %select_n3A_60 = arith.select %and3A_57, %sub3A_59, %div3A_38 : i32
    %rem3A_61 = arith.constant 128 : i32
    %rem3A_62 = arith.remsi %add3A_36, %rem3A_61 : i32
    %mul3A_63 = arith.constant 128 : i32
    %mul3A_64 = arith.muli %rem3A_62, %mul3A_63 : i32
    %dma_start3A_65 = arith.constant 1 : i32
    %dma_start3A_66 = arith.constant 0 : i32
    %dma_start3A_67 = tpu.memref_slice %arg5[%dma_start3A_65, %dma_start3A_66] : memref<8x128xi32, #tpu.memory_space<vmem>> -> memref<1x128xi32, #tpu.memory_space<vmem>>
    %dma_start3A_68 = tpu.memref_squeeze %dma_start3A_67 : memref<1x128xi32, #tpu.memory_space<vmem>> -> memref<128xi32, #tpu.memory_space<vmem>>
    %dma_start3A_69 = tpu.memref_slice %arg3[%select_n3A_60, %mul3A_64] : memref<50x16384xi32, #tpu.memory_space<hbm>> -> memref<1x128xi32, #tpu.memory_space<hbm>>
    %dma_start3A_70 = tpu.memref_squeeze %dma_start3A_69 : memref<1x128xi32, #tpu.memory_space<hbm>> -> memref<128xi32, #tpu.memory_space<hbm>>
    %dma_start3A_71 = arith.constant 0 : i32
    %dma_start3A_72 = tpu.memref_slice %arg5[%dma_start3A_65, %dma_start3A_71] : memref<8x128xi32, #tpu.memory_space<vmem>> -> memref<1x128xi32, #tpu.memory_space<vmem>>
    %dma_start3A_73 = tpu.memref_squeeze %dma_start3A_72 : memref<1x128xi32, #tpu.memory_space<vmem>> -> memref<128xi32, #tpu.memory_space<vmem>>
    %dma_start3A_74 = tpu.memref_slice %arg3[%select_n3A_60, %mul3A_64] : memref<50x16384xi32, #tpu.memory_space<hbm>> -> memref<1x128xi32, #tpu.memory_space<hbm>>
    %dma_start3A_75 = tpu.memref_squeeze %dma_start3A_74 : memref<1x128xi32, #tpu.memory_space<hbm>> -> memref<128xi32, #tpu.memory_space<hbm>>
    tpu.enqueue_dma source(%dma_start3A_75 : memref<128xi32, #tpu.memory_space<hbm>>) target(%dma_start3A_73 : memref<128xi32, #tpu.memory_space<vmem>>) target_semaphore(%arg7 : memref<!tpu.dma_semaphore, #tpu.memory_space<semaphore_mem>>)
    %add3A_76 = arith.constant 2 : i32
    %add3A_77 = arith.addi %mul3A_2, %add3A_76 : i32
    %jit3A_78 = arith.constant 128 : i32
    %div3A_79 = arith.divsi %add3A_77, %jit3A_78 : i32
    %sign3A_80 = arith.constant 0 : i32
    %sign3A_81 = arith.cmpi sgt, %add3A_77, %sign3A_80 : i32
    %sign3A_82 = arith.extui %sign3A_81 : i1 to i32
    %sign3A_83 = arith.constant 0 : i32
    %sign3A_84 = arith.cmpi slt, %add3A_77, %sign3A_83 : i32
    %sign3A_85 = arith.extui %sign3A_84 : i1 to i32
    %sign3A_86 = arith.subi %sign3A_82, %sign3A_85 : i32
    %sign3A_87 = arith.constant 0 : i32
    %sign3A_88 = arith.cmpi sgt, %jit3A_78, %sign3A_87 : i32
    %sign3A_89 = arith.extui %sign3A_88 : i1 to i32
    %sign3A_90 = arith.constant 0 : i32
    %sign3A_91 = arith.cmpi slt, %jit3A_78, %sign3A_90 : i32
    %sign3A_92 = arith.extui %sign3A_91 : i1 to i32
    %sign3A_93 = arith.subi %sign3A_89, %sign3A_92 : i32
    %ne3A_94 = arith.cmpi ne, %sign3A_86, %sign3A_93 : i32
    %rem3A_95 = arith.remsi %add3A_77, %jit3A_78 : i32
    %ne3A_96 = arith.constant 0 : i32
    %ne3A_97 = arith.cmpi ne, %rem3A_95, %ne3A_96 : i32
    %and3A_98 = arith.andi %ne3A_94, %ne3A_97 : i1
    %sub3A_99 = arith.constant 1 : i32
    %sub3A_100 = arith.subi %div3A_79, %sub3A_99 : i32
    %select_n3A_101 = arith.select %and3A_98, %sub3A_100, %div3A_79 : i32
    %rem3A_102 = arith.constant 128 : i32
    %rem3A_103 = arith.remsi %add3A_77, %rem3A_102 : i32
    %mul3A_104 = arith.constant 128 : i32
    %mul3A_105 = arith.muli %rem3A_103, %mul3A_104 : i32
    %dma_start3A_106 = arith.constant 2 : i32
    %dma_start3A_107 = arith.constant 0 : i32
    %dma_start3A_108 = tpu.memref_slice %arg5[%dma_start3A_106, %dma_start3A_107] : memref<8x128xi32, #tpu.memory_space<vmem>> -> memref<1x128xi32, #tpu.memory_space<vmem>>
    %dma_start3A_109 = tpu.memref_squeeze %dma_start3A_108 : memref<1x128xi32, #tpu.memory_space<vmem>> -> memref<128xi32, #tpu.memory_space<vmem>>
    %dma_start3A_110 = tpu.memref_slice %arg3[%select_n3A_101, %mul3A_105] : memref<50x16384xi32, #tpu.memory_space<hbm>> -> memref<1x128xi32, #tpu.memory_space<hbm>>
    %dma_start3A_111 = tpu.memref_squeeze %dma_start3A_110 : memref<1x128xi32, #tpu.memory_space<hbm>> -> memref<128xi32, #tpu.memory_space<hbm>>
    %dma_start3A_112 = arith.constant 0 : i32
    %dma_start3A_113 = tpu.memref_slice %arg5[%dma_start3A_106, %dma_start3A_112] : memref<8x128xi32, #tpu.memory_space<vmem>> -> memref<1x128xi32, #tpu.memory_space<vmem>>
    %dma_start3A_114 = tpu.memref_squeeze %dma_start3A_113 : memref<1x128xi32, #tpu.memory_space<vmem>> -> memref<128xi32, #tpu.memory_space<vmem>>
    %dma_start3A_115 = tpu.memref_slice %arg3[%select_n3A_101, %mul3A_105] : memref<50x16384xi32, #tpu.memory_space<hbm>> -> memref<1x128xi32, #tpu.memory_space<hbm>>
    %dma_start3A_116 = tpu.memref_squeeze %dma_start3A_115 : memref<1x128xi32, #tpu.memory_space<hbm>> -> memref<128xi32, #tpu.memory_space<hbm>>
    tpu.enqueue_dma source(%dma_start3A_116 : memref<128xi32, #tpu.memory_space<hbm>>) target(%dma_start3A_114 : memref<128xi32, #tpu.memory_space<vmem>>) target_semaphore(%arg7 : memref<!tpu.dma_semaphore, #tpu.memory_space<semaphore_mem>>)
    %add3A_117 = arith.constant 3 : i32
    %add3A_118 = arith.addi %mul3A_2, %add3A_117 : i32
    %jit3A_119 = arith.constant 128 : i32
    %div3A_120 = arith.divsi %add3A_118, %jit3A_119 : i32
    %sign3A_121 = arith.constant 0 : i32
    %sign3A_122 = arith.cmpi sgt, %add3A_118, %sign3A_121 : i32
    %sign3A_123 = arith.extui %sign3A_122 : i1 to i32
    %sign3A_124 = arith.constant 0 : i32
    %sign3A_125 = arith.cmpi slt, %add3A_118, %sign3A_124 : i32
    %sign3A_126 = arith.extui %sign3A_125 : i1 to i32
    %sign3A_127 = arith.subi %sign3A_123, %sign3A_126 : i32
    %sign3A_128 = arith.constant 0 : i32
    %sign3A_129 = arith.cmpi sgt, %jit3A_119, %sign3A_128 : i32
    %sign3A_130 = arith.extui %sign3A_129 : i1 to i32
    %sign3A_131 = arith.constant 0 : i32
    %sign3A_132 = arith.cmpi slt, %jit3A_119, %sign3A_131 : i32
    %sign3A_133 = arith.extui %sign3A_132 : i1 to i32
    %sign3A_134 = arith.subi %sign3A_130, %sign3A_133 : i32
    %ne3A_135 = arith.cmpi ne, %sign3A_127, %sign3A_134 : i32
    %rem3A_136 = arith.remsi %add3A_118, %jit3A_119 : i32
    %ne3A_137 = arith.constant 0 : i32
    %ne3A_138 = arith.cmpi ne, %rem3A_136, %ne3A_137 : i32
    %and3A_139 = arith.andi %ne3A_135, %ne3A_138 : i1
    %sub3A_140 = arith.constant 1 : i32
    %sub3A_141 = arith.subi %div3A_120, %sub3A_140 : i32
    %select_n3A_142 = arith.select %and3A_139, %sub3A_141, %div3A_120 : i32
    %rem3A_143 = arith.constant 128 : i32
    %rem3A_144 = arith.remsi %add3A_118, %rem3A_143 : i32
    %mul3A_145 = arith.constant 128 : i32
    %mul3A_146 = arith.muli %rem3A_144, %mul3A_145 : i32
    %dma_start3A_147 = arith.constant 3 : i32
    %dma_start3A_148 = arith.constant 0 : i32
    %dma_start3A_149 = tpu.memref_slice %arg5[%dma_start3A_147, %dma_start3A_148] : memref<8x128xi32, #tpu.memory_space<vmem>> -> memref<1x128xi32, #tpu.memory_space<vmem>>
    %dma_start3A_150 = tpu.memref_squeeze %dma_start3A_149 : memref<1x128xi32, #tpu.memory_space<vmem>> -> memref<128xi32, #tpu.memory_space<vmem>>
    %dma_start3A_151 = tpu.memref_slice %arg3[%select_n3A_142, %mul3A_146] : memref<50x16384xi32, #tpu.memory_space<hbm>> -> memref<1x128xi32, #tpu.memory_space<hbm>>
    %dma_start3A_152 = tpu.memref_squeeze %dma_start3A_151 : memref<1x128xi32, #tpu.memory_space<hbm>> -> memref<128xi32, #tpu.memory_space<hbm>>
    %dma_start3A_153 = arith.constant 0 : i32
    %dma_start3A_154 = tpu.memref_slice %arg5[%dma_start3A_147, %dma_start3A_153] : memref<8x128xi32, #tpu.memory_space<vmem>> -> memref<1x128xi32, #tpu.memory_space<vmem>>
    %dma_start3A_155 = tpu.memref_squeeze %dma_start3A_154 : memref<1x128xi32, #tpu.memory_space<vmem>> -> memref<128xi32, #tpu.memory_space<vmem>>
    %dma_start3A_156 = tpu.memref_slice %arg3[%select_n3A_142, %mul3A_146] : memref<50x16384xi32, #tpu.memory_space<hbm>> -> memref<1x128xi32, #tpu.memory_space<hbm>>
    %dma_start3A_157 = tpu.memref_squeeze %dma_start3A_156 : memref<1x128xi32, #tpu.memory_space<hbm>> -> memref<128xi32, #tpu.memory_space<hbm>>
    tpu.enqueue_dma source(%dma_start3A_157 : memref<128xi32, #tpu.memory_space<hbm>>) target(%dma_start3A_155 : memref<128xi32, #tpu.memory_space<vmem>>) target_semaphore(%arg7 : memref<!tpu.dma_semaphore, #tpu.memory_space<semaphore_mem>>)
    %add3A_158 = arith.constant 4 : i32
    %add3A_159 = arith.addi %mul3A_2, %add3A_158 : i32
    %jit3A_160 = arith.constant 128 : i32
    %div3A_161 = arith.divsi %add3A_159, %jit3A_160 : i32
    %sign3A_162 = arith.constant 0 : i32
    %sign3A_163 = arith.cmpi sgt, %add3A_159, %sign3A_162 : i32
    %sign3A_164 = arith.extui %sign3A_163 : i1 to i32
    %sign3A_165 = arith.constant 0 : i32
    %sign3A_166 = arith.cmpi slt, %add3A_159, %sign3A_165 : i32
    %sign3A_167 = arith.extui %sign3A_166 : i1 to i32
    %sign3A_168 = arith.subi %sign3A_164, %sign3A_167 : i32
    %sign3A_169 = arith.constant 0 : i32
    %sign3A_170 = arith.cmpi sgt, %jit3A_160, %sign3A_169 : i32
    %sign3A_171 = arith.extui %sign3A_170 : i1 to i32
    %sign3A_172 = arith.constant 0 : i32
    %sign3A_173 = arith.cmpi slt, %jit3A_160, %sign3A_172 : i32
    %sign3A_174 = arith.extui %sign3A_173 : i1 to i32
    %sign3A_175 = arith.subi %sign3A_171, %sign3A_174 : i32
    %ne3A_176 = arith.cmpi ne, %sign3A_168, %sign3A_175 : i32
    %rem3A_177 = arith.remsi %add3A_159, %jit3A_160 : i32
    %ne3A_178 = arith.constant 0 : i32
    %ne3A_179 = arith.cmpi ne, %rem3A_177, %ne3A_178 : i32
    %and3A_180 = arith.andi %ne3A_176, %ne3A_179 : i1
    %sub3A_181 = arith.constant 1 : i32
    %sub3A_182 = arith.subi %div3A_161, %sub3A_181 : i32
    %select_n3A_183 = arith.select %and3A_180, %sub3A_182, %div3A_161 : i32
    %rem3A_184 = arith.constant 128 : i32
    %rem3A_185 = arith.remsi %add3A_159, %rem3A_184 : i32
    %mul3A_186 = arith.constant 128 : i32
    %mul3A_187 = arith.muli %rem3A_185, %mul3A_186 : i32
    %dma_start3A_188 = arith.constant 4 : i32
    %dma_start3A_189 = arith.constant 0 : i32
    %dma_start3A_190 = tpu.memref_slice %arg5[%dma_start3A_188, %dma_start3A_189] : memref<8x128xi32, #tpu.memory_space<vmem>> -> memref<1x128xi32, #tpu.memory_space<vmem>>
    %dma_start3A_191 = tpu.memref_squeeze %dma_start3A_190 : memref<1x128xi32, #tpu.memory_space<vmem>> -> memref<128xi32, #tpu.memory_space<vmem>>
    %dma_start3A_192 = tpu.memref_slice %arg3[%select_n3A_183, %mul3A_187] : memref<50x16384xi32, #tpu.memory_space<hbm>> -> memref<1x128xi32, #tpu.memory_space<hbm>>
    %dma_start3A_193 = tpu.memref_squeeze %dma_start3A_192 : memref<1x128xi32, #tpu.memory_space<hbm>> -> memref<128xi32, #tpu.memory_space<hbm>>
    %dma_start3A_194 = arith.constant 0 : i32
    %dma_start3A_195 = tpu.memref_slice %arg5[%dma_start3A_188, %dma_start3A_194] : memref<8x128xi32, #tpu.memory_space<vmem>> -> memref<1x128xi32, #tpu.memory_space<vmem>>
    %dma_start3A_196 = tpu.memref_squeeze %dma_start3A_195 : memref<1x128xi32, #tpu.memory_space<vmem>> -> memref<128xi32, #tpu.memory_space<vmem>>
    %dma_start3A_197 = tpu.memref_slice %arg3[%select_n3A_183, %mul3A_187] : memref<50x16384xi32, #tpu.memory_space<hbm>> -> memref<1x128xi32, #tpu.memory_space<hbm>>
    %dma_start3A_198 = tpu.memref_squeeze %dma_start3A_197 : memref<1x128xi32, #tpu.memory_space<hbm>> -> memref<128xi32, #tpu.memory_space<hbm>>
    tpu.enqueue_dma source(%dma_start3A_198 : memref<128xi32, #tpu.memory_space<hbm>>) target(%dma_start3A_196 : memref<128xi32, #tpu.memory_space<vmem>>) target_semaphore(%arg7 : memref<!tpu.dma_semaphore, #tpu.memory_space<semaphore_mem>>)
    %add3A_199 = arith.constant 5 : i32
    %add3A_200 = arith.addi %mul3A_2, %add3A_199 : i32
    %jit3A_201 = arith.constant 128 : i32
    %div3A_202 = arith.divsi %add3A_200, %jit3A_201 : i32
    %sign3A_203 = arith.constant 0 : i32
    %sign3A_204 = arith.cmpi sgt, %add3A_200, %sign3A_203 : i32
    %sign3A_205 = arith.extui %sign3A_204 : i1 to i32
    %sign3A_206 = arith.constant 0 : i32
    %sign3A_207 = arith.cmpi slt, %add3A_200, %sign3A_206 : i32
    %sign3A_208 = arith.extui %sign3A_207 : i1 to i32
    %sign3A_209 = arith.subi %sign3A_205, %sign3A_208 : i32
    %sign3A_210 = arith.constant 0 : i32
    %sign3A_211 = arith.cmpi sgt, %jit3A_201, %sign3A_210 : i32
    %sign3A_212 = arith.extui %sign3A_211 : i1 to i32
    %sign3A_213 = arith.constant 0 : i32
    %sign3A_214 = arith.cmpi slt, %jit3A_201, %sign3A_213 : i32
    %sign3A_215 = arith.extui %sign3A_214 : i1 to i32
    %sign3A_216 = arith.subi %sign3A_212, %sign3A_215 : i32
    %ne3A_217 = arith.cmpi ne, %sign3A_209, %sign3A_216 : i32
    %rem3A_218 = arith.remsi %add3A_200, %jit3A_201 : i32
    %ne3A_219 = arith.constant 0 : i32
    %ne3A_220 = arith.cmpi ne, %rem3A_218, %ne3A_219 : i32
    %and3A_221 = arith.andi %ne3A_217, %ne3A_220 : i1
    %sub3A_222 = arith.constant 1 : i32
    %sub3A_223 = arith.subi %div3A_202, %sub3A_222 : i32
    %select_n3A_224 = arith.select %and3A_221, %sub3A_223, %div3A_202 : i32
    %rem3A_225 = arith.constant 128 : i32
    %rem3A_226 = arith.remsi %add3A_200, %rem3A_225 : i32
    %mul3A_227 = arith.constant 128 : i32
    %mul3A_228 = arith.muli %rem3A_226, %mul3A_227 : i32
    %dma_start3A_229 = arith.constant 5 : i32
    %dma_start3A_230 = arith.constant 0 : i32
    %dma_start3A_231 = tpu.memref_slice %arg5[%dma_start3A_229, %dma_start3A_230] : memref<8x128xi32, #tpu.memory_space<vmem>> -> memref<1x128xi32, #tpu.memory_space<vmem>>
    %dma_start3A_232 = tpu.memref_squeeze %dma_start3A_231 : memref<1x128xi32, #tpu.memory_space<vmem>> -> memref<128xi32, #tpu.memory_space<vmem>>
    %dma_start3A_233 = tpu.memref_slice %arg3[%select_n3A_224, %mul3A_228] : memref<50x16384xi32, #tpu.memory_space<hbm>> -> memref<1x128xi32, #tpu.memory_space<hbm>>
    %dma_start3A_234 = tpu.memref_squeeze %dma_start3A_233 : memref<1x128xi32, #tpu.memory_space<hbm>> -> memref<128xi32, #tpu.memory_space<hbm>>
    %dma_start3A_235 = arith.constant 0 : i32
    %dma_start3A_236 = tpu.memref_slice %arg5[%dma_start3A_229, %dma_start3A_235] : memref<8x128xi32, #tpu.memory_space<vmem>> -> memref<1x128xi32, #tpu.memory_space<vmem>>
    %dma_start3A_237 = tpu.memref_squeeze %dma_start3A_236 : memref<1x128xi32, #tpu.memory_space<vmem>> -> memref<128xi32, #tpu.memory_space<vmem>>
    %dma_start3A_238 = tpu.memref_slice %arg3[%select_n3A_224, %mul3A_228] : memref<50x16384xi32, #tpu.memory_space<hbm>> -> memref<1x128xi32, #tpu.memory_space<hbm>>
    %dma_start3A_239 = tpu.memref_squeeze %dma_start3A_238 : memref<1x128xi32, #tpu.memory_space<hbm>> -> memref<128xi32, #tpu.memory_space<hbm>>
    tpu.enqueue_dma source(%dma_start3A_239 : memref<128xi32, #tpu.memory_space<hbm>>) target(%dma_start3A_237 : memref<128xi32, #tpu.memory_space<vmem>>) target_semaphore(%arg7 : memref<!tpu.dma_semaphore, #tpu.memory_space<semaphore_mem>>)
    %add3A_240 = arith.constant 6 : i32
    %add3A_241 = arith.addi %mul3A_2, %add3A_240 : i32
    %jit3A_242 = arith.constant 128 : i32
    %div3A_243 = arith.divsi %add3A_241, %jit3A_242 : i32
    %sign3A_244 = arith.constant 0 : i32
    %sign3A_245 = arith.cmpi sgt, %add3A_241, %sign3A_244 : i32
    %sign3A_246 = arith.extui %sign3A_245 : i1 to i32
    %sign3A_247 = arith.constant 0 : i32
    %sign3A_248 = arith.cmpi slt, %add3A_241, %sign3A_247 : i32
    %sign3A_249 = arith.extui %sign3A_248 : i1 to i32
    %sign3A_250 = arith.subi %sign3A_246, %sign3A_249 : i32
    %sign3A_251 = arith.constant 0 : i32
    %sign3A_252 = arith.cmpi sgt, %jit3A_242, %sign3A_251 : i32
    %sign3A_253 = arith.extui %sign3A_252 : i1 to i32
    %sign3A_254 = arith.constant 0 : i32
    %sign3A_255 = arith.cmpi slt, %jit3A_242, %sign3A_254 : i32
    %sign3A_256 = arith.extui %sign3A_255 : i1 to i32
    %sign3A_257 = arith.subi %sign3A_253, %sign3A_256 : i32
    %ne3A_258 = arith.cmpi ne, %sign3A_250, %sign3A_257 : i32
    %rem3A_259 = arith.remsi %add3A_241, %jit3A_242 : i32
    %ne3A_260 = arith.constant 0 : i32
    %ne3A_261 = arith.cmpi ne, %rem3A_259, %ne3A_260 : i32
    %and3A_262 = arith.andi %ne3A_258, %ne3A_261 : i1
    %sub3A_263 = arith.constant 1 : i32
    %sub3A_264 = arith.subi %div3A_243, %sub3A_263 : i32
    %select_n3A_265 = arith.select %and3A_262, %sub3A_264, %div3A_243 : i32
    %rem3A_266 = arith.constant 128 : i32
    %rem3A_267 = arith.remsi %add3A_241, %rem3A_266 : i32
    %mul3A_268 = arith.constant 128 : i32
    %mul3A_269 = arith.muli %rem3A_267, %mul3A_268 : i32
    %dma_start3A_270 = arith.constant 6 : i32
    %dma_start3A_271 = arith.constant 0 : i32
    %dma_start3A_272 = tpu.memref_slice %arg5[%dma_start3A_270, %dma_start3A_271] : memref<8x128xi32, #tpu.memory_space<vmem>> -> memref<1x128xi32, #tpu.memory_space<vmem>>
    %dma_start3A_273 = tpu.memref_squeeze %dma_start3A_272 : memref<1x128xi32, #tpu.memory_space<vmem>> -> memref<128xi32, #tpu.memory_space<vmem>>
    %dma_start3A_274 = tpu.memref_slice %arg3[%select_n3A_265, %mul3A_269] : memref<50x16384xi32, #tpu.memory_space<hbm>> -> memref<1x128xi32, #tpu.memory_space<hbm>>
    %dma_start3A_275 = tpu.memref_squeeze %dma_start3A_274 : memref<1x128xi32, #tpu.memory_space<hbm>> -> memref<128xi32, #tpu.memory_space<hbm>>
    %dma_start3A_276 = arith.constant 0 : i32
    %dma_start3A_277 = tpu.memref_slice %arg5[%dma_start3A_270, %dma_start3A_276] : memref<8x128xi32, #tpu.memory_space<vmem>> -> memref<1x128xi32, #tpu.memory_space<vmem>>
    %dma_start3A_278 = tpu.memref_squeeze %dma_start3A_277 : memref<1x128xi32, #tpu.memory_space<vmem>> -> memref<128xi32, #tpu.memory_space<vmem>>
    %dma_start3A_279 = tpu.memref_slice %arg3[%select_n3A_265, %mul3A_269] : memref<50x16384xi32, #tpu.memory_space<hbm>> -> memref<1x128xi32, #tpu.memory_space<hbm>>
    %dma_start3A_280 = tpu.memref_squeeze %dma_start3A_279 : memref<1x128xi32, #tpu.memory_space<hbm>> -> memref<128xi32, #tpu.memory_space<hbm>>
    tpu.enqueue_dma source(%dma_start3A_280 : memref<128xi32, #tpu.memory_space<hbm>>) target(%dma_start3A_278 : memref<128xi32, #tpu.memory_space<vmem>>) target_semaphore(%arg7 : memref<!tpu.dma_semaphore, #tpu.memory_space<semaphore_mem>>)
    %add3A_281 = arith.constant 7 : i32
    %add3A_282 = arith.addi %mul3A_2, %add3A_281 : i32
    %jit3A_283 = arith.constant 128 : i32
    %div3A_284 = arith.divsi %add3A_282, %jit3A_283 : i32
    %sign3A_285 = arith.constant 0 : i32
    %sign3A_286 = arith.cmpi sgt, %add3A_282, %sign3A_285 : i32
    %sign3A_287 = arith.extui %sign3A_286 : i1 to i32
    %sign3A_288 = arith.constant 0 : i32
    %sign3A_289 = arith.cmpi slt, %add3A_282, %sign3A_288 : i32
    %sign3A_290 = arith.extui %sign3A_289 : i1 to i32
    %sign3A_291 = arith.subi %sign3A_287, %sign3A_290 : i32
    %sign3A_292 = arith.constant 0 : i32
    %sign3A_293 = arith.cmpi sgt, %jit3A_283, %sign3A_292 : i32
    %sign3A_294 = arith.extui %sign3A_293 : i1 to i32
    %sign3A_295 = arith.constant 0 : i32
    %sign3A_296 = arith.cmpi slt, %jit3A_283, %sign3A_295 : i32
    %sign3A_297 = arith.extui %sign3A_296 : i1 to i32
    %sign3A_298 = arith.subi %sign3A_294, %sign3A_297 : i32
    %ne3A_299 = arith.cmpi ne, %sign3A_291, %sign3A_298 : i32
    %rem3A_300 = arith.remsi %add3A_282, %jit3A_283 : i32
    %ne3A_301 = arith.constant 0 : i32
    %ne3A_302 = arith.cmpi ne, %rem3A_300, %ne3A_301 : i32
    %and3A_303 = arith.andi %ne3A_299, %ne3A_302 : i1
    %sub3A_304 = arith.constant 1 : i32
    %sub3A_305 = arith.subi %div3A_284, %sub3A_304 : i32
    %select_n3A_306 = arith.select %and3A_303, %sub3A_305, %div3A_284 : i32
    %rem3A_307 = arith.constant 128 : i32
    %rem3A_308 = arith.remsi %add3A_282, %rem3A_307 : i32
    %mul3A_309 = arith.constant 128 : i32
    %mul3A_310 = arith.muli %rem3A_308, %mul3A_309 : i32
    %dma_start3A_311 = arith.constant 7 : i32
    %dma_start3A_312 = arith.constant 0 : i32
    %dma_start3A_313 = tpu.memref_slice %arg5[%dma_start3A_311, %dma_start3A_312] : memref<8x128xi32, #tpu.memory_space<vmem>> -> memref<1x128xi32, #tpu.memory_space<vmem>>
    %dma_start3A_314 = tpu.memref_squeeze %dma_start3A_313 : memref<1x128xi32, #tpu.memory_space<vmem>> -> memref<128xi32, #tpu.memory_space<vmem>>
    %dma_start3A_315 = tpu.memref_slice %arg3[%select_n3A_306, %mul3A_310] : memref<50x16384xi32, #tpu.memory_space<hbm>> -> memref<1x128xi32, #tpu.memory_space<hbm>>
    %dma_start3A_316 = tpu.memref_squeeze %dma_start3A_315 : memref<1x128xi32, #tpu.memory_space<hbm>> -> memref<128xi32, #tpu.memory_space<hbm>>
    %dma_start3A_317 = arith.constant 0 : i32
    %dma_start3A_318 = tpu.memref_slice %arg5[%dma_start3A_311, %dma_start3A_317] : memref<8x128xi32, #tpu.memory_space<vmem>> -> memref<1x128xi32, #tpu.memory_space<vmem>>
    %dma_start3A_319 = tpu.memref_squeeze %dma_start3A_318 : memref<1x128xi32, #tpu.memory_space<vmem>> -> memref<128xi32, #tpu.memory_space<vmem>>
    %dma_start3A_320 = tpu.memref_slice %arg3[%select_n3A_306, %mul3A_310] : memref<50x16384xi32, #tpu.memory_space<hbm>> -> memref<1x128xi32, #tpu.memory_space<hbm>>
    %dma_start3A_321 = tpu.memref_squeeze %dma_start3A_320 : memref<1x128xi32, #tpu.memory_space<hbm>> -> memref<128xi32, #tpu.memory_space<hbm>>
    tpu.enqueue_dma source(%dma_start3A_321 : memref<128xi32, #tpu.memory_space<hbm>>) target(%dma_start3A_319 : memref<128xi32, #tpu.memory_space<vmem>>) target_semaphore(%arg7 : memref<!tpu.dma_semaphore, #tpu.memory_space<semaphore_mem>>)
    %scan3A = arith.constant 0 : i32
    %scan3A_322 = arith.constant 25 : i32
    %scan3A_323 = arith.addi %scan3A, %scan3A_322 : i32
    %scan3A_324 = arith.constant 1 : i32
    scf.for %scan3A_326 = %scan3A to %scan3A_323 step %scan3A_324  : i32 {
      %mul3A_327 = arith.constant 8 : i32
      %mul3A_328 = arith.muli %scan3A_326, %mul3A_327 : i32
      %add3A_329 = arith.constant 0 : i32
      %add3A_330 = arith.addi %add3A_329, %mul3A_328 : i32
      %dma_wait3A = arith.constant 0 : i32
      %dma_wait3A_331 = arith.constant 0 : i32
      %dma_wait3A_332 = arith.constant 0 : i32
      %dma_wait3A_333 = tpu.memref_slice %arg5[%dma_wait3A_331, %dma_wait3A_332] : memref<8x128xi32, #tpu.memory_space<vmem>> -> memref<1x128xi32, #tpu.memory_space<vmem>>
      %dma_wait3A_334 = tpu.memref_squeeze %dma_wait3A_333 : memref<1x128xi32, #tpu.memory_space<vmem>> -> memref<128xi32, #tpu.memory_space<vmem>>
      %dma_wait3A_335 = arith.constant 0 : i32
      %dma_wait3A_336 = tpu.memref_slice %arg3[%dma_wait3A, %dma_wait3A_335] : memref<50x16384xi32, #tpu.memory_space<hbm>> -> memref<1x128xi32, #tpu.memory_space<hbm>>
      %dma_wait3A_337 = tpu.memref_squeeze %dma_wait3A_336 : memref<1x128xi32, #tpu.memory_space<hbm>> -> memref<128xi32, #tpu.memory_space<hbm>>
      %dma_wait3A_338 = arith.constant 0 : i32
      %dma_wait3A_339 = tpu.memref_slice %arg5[%dma_wait3A_331, %dma_wait3A_338] : memref<8x128xi32, #tpu.memory_space<vmem>> -> memref<1x128xi32, #tpu.memory_space<vmem>>
      %dma_wait3A_340 = tpu.memref_squeeze %dma_wait3A_339 : memref<1x128xi32, #tpu.memory_space<vmem>> -> memref<128xi32, #tpu.memory_space<vmem>>
      %dma_wait3A_341 = arith.constant 0 : i32
      %dma_wait3A_342 = tpu.memref_slice %arg3[%dma_wait3A, %dma_wait3A_341] : memref<50x16384xi32, #tpu.memory_space<hbm>> -> memref<1x128xi32, #tpu.memory_space<hbm>>
      %dma_wait3A_343 = tpu.memref_squeeze %dma_wait3A_342 : memref<1x128xi32, #tpu.memory_space<hbm>> -> memref<128xi32, #tpu.memory_space<hbm>>
      tpu.wait_dma2 semaphore(%arg7 : memref<!tpu.dma_semaphore, #tpu.memory_space<semaphore_mem>>) src(%dma_wait3A_343 : memref<128xi32, #tpu.memory_space<hbm>>) dst(%dma_wait3A_340 : memref<128xi32, #tpu.memory_space<vmem>>)
      %dma_start3A_344 = arith.constant 0 : i32
      %dma_start3A_345 = arith.constant 0 : i32
      %dma_start3A_346 = arith.constant 0 : i32
      %dma_start3A_347 = arith.constant 0 : i32
      %dma_start3A_348 = tpu.memref_slice %arg6[%dma_start3A_345, %dma_start3A_346, %dma_start3A_347] : memref<8x128x32xf32, #tpu.memory_space<vmem>> -> memref<1x128x32xf32, #tpu.memory_space<vmem>>
      %dma_start3A_349 = tpu.memref_squeeze %dma_start3A_348 : memref<1x128x32xf32, #tpu.memory_space<vmem>> -> memref<128x32xf32, #tpu.memory_space<vmem>>
      %dma_start3A_350 = arith.constant 0 : i32
      %dma_start3A_351 = tpu.memref_slice %arg5[%dma_start3A_344, %dma_start3A_350] : memref<8x128xi32, #tpu.memory_space<vmem>> -> memref<1x128xi32, #tpu.memory_space<vmem>>
      %dma_start3A_352 = tpu.memref_squeeze %dma_start3A_351 : memref<1x128xi32, #tpu.memory_space<vmem>> -> memref<128xi32, #tpu.memory_space<vmem>>
      %dma_start3A_353 = arith.constant 0 : i32
      %dma_start3A_354 = arith.constant 0 : i32
      %dma_start3A_355 = tpu.memref_slice %arg2[%dma_start3A_353, %dma_start3A_354] : memref<1000000x32xf32, #tpu.memory_space<hbm>> -> memref<1000000x32xf32, #tpu.memory_space<hbm>>
      tpu.enqueue_indirect_dma source(%dma_start3A_355 : memref<1000000x32xf32, #tpu.memory_space<hbm>>) target(%dma_start3A_349 : memref<128x32xf32, #tpu.memory_space<vmem>>) offsets(%dma_start3A_352 : memref<128xi32, #tpu.memory_space<vmem>>) semaphore(%arg8 : memref<!tpu.dma_semaphore, #tpu.memory_space<semaphore_mem>>)
      %dma_wait3A_356 = arith.constant 0 : i32
      %dma_wait3A_357 = arith.constant 1 : i32
      %dma_wait3A_358 = arith.constant 0 : i32
      %dma_wait3A_359 = tpu.memref_slice %arg5[%dma_wait3A_357, %dma_wait3A_358] : memref<8x128xi32, #tpu.memory_space<vmem>> -> memref<1x128xi32, #tpu.memory_space<vmem>>
      %dma_wait3A_360 = tpu.memref_squeeze %dma_wait3A_359 : memref<1x128xi32, #tpu.memory_space<vmem>> -> memref<128xi32, #tpu.memory_space<vmem>>
      %dma_wait3A_361 = arith.constant 0 : i32
      %dma_wait3A_362 = tpu.memref_slice %arg3[%dma_wait3A_356, %dma_wait3A_361] : memref<50x16384xi32, #tpu.memory_space<hbm>> -> memref<1x128xi32, #tpu.memory_space<hbm>>
      %dma_wait3A_363 = tpu.memref_squeeze %dma_wait3A_362 : memref<1x128xi32, #tpu.memory_space<hbm>> -> memref<128xi32, #tpu.memory_space<hbm>>
      %dma_wait3A_364 = arith.constant 0 : i32
      %dma_wait3A_365 = tpu.memref_slice %arg5[%dma_wait3A_357, %dma_wait3A_364] : memref<8x128xi32, #tpu.memory_space<vmem>> -> memref<1x128xi32, #tpu.memory_space<vmem>>
      %dma_wait3A_366 = tpu.memref_squeeze %dma_wait3A_365 : memref<1x128xi32, #tpu.memory_space<vmem>> -> memref<128xi32, #tpu.memory_space<vmem>>
      %dma_wait3A_367 = arith.constant 0 : i32
      %dma_wait3A_368 = tpu.memref_slice %arg3[%dma_wait3A_356, %dma_wait3A_367] : memref<50x16384xi32, #tpu.memory_space<hbm>> -> memref<1x128xi32, #tpu.memory_space<hbm>>
      %dma_wait3A_369 = tpu.memref_squeeze %dma_wait3A_368 : memref<1x128xi32, #tpu.memory_space<hbm>> -> memref<128xi32, #tpu.memory_space<hbm>>
      tpu.wait_dma2 semaphore(%arg7 : memref<!tpu.dma_semaphore, #tpu.memory_space<semaphore_mem>>) src(%dma_wait3A_369 : memref<128xi32, #tpu.memory_space<hbm>>) dst(%dma_wait3A_366 : memref<128xi32, #tpu.memory_space<vmem>>)
      %dma_start3A_370 = arith.constant 1 : i32
      %dma_start3A_371 = arith.constant 1 : i32
      %dma_start3A_372 = arith.constant 0 : i32
      %dma_start3A_373 = arith.constant 0 : i32
      %dma_start3A_374 = tpu.memref_slice %arg6[%dma_start3A_371, %dma_start3A_372, %dma_start3A_373] : memref<8x128x32xf32, #tpu.memory_space<vmem>> -> memref<1x128x32xf32, #tpu.memory_space<vmem>>
      %dma_start3A_375 = tpu.memref_squeeze %dma_start3A_374 : memref<1x128x32xf32, #tpu.memory_space<vmem>> -> memref<128x32xf32, #tpu.memory_space<vmem>>
      %dma_start3A_376 = arith.constant 0 : i32
      %dma_start3A_377 = tpu.memref_slice %arg5[%dma_start3A_370, %dma_start3A_376] : memref<8x128xi32, #tpu.memory_space<vmem>> -> memref<1x128xi32, #tpu.memory_space<vmem>>
      %dma_start3A_378 = tpu.memref_squeeze %dma_start3A_377 : memref<1x128xi32, #tpu.memory_space<vmem>> -> memref<128xi32, #tpu.memory_space<vmem>>
      %dma_start3A_379 = arith.constant 0 : i32
      %dma_start3A_380 = arith.constant 0 : i32
      %dma_start3A_381 = tpu.memref_slice %arg2[%dma_start3A_379, %dma_start3A_380] : memref<1000000x32xf32, #tpu.memory_space<hbm>> -> memref<1000000x32xf32, #tpu.memory_space<hbm>>
      tpu.enqueue_indirect_dma source(%dma_start3A_381 : memref<1000000x32xf32, #tpu.memory_space<hbm>>) target(%dma_start3A_375 : memref<128x32xf32, #tpu.memory_space<vmem>>) offsets(%dma_start3A_378 : memref<128xi32, #tpu.memory_space<vmem>>) semaphore(%arg8 : memref<!tpu.dma_semaphore, #tpu.memory_space<semaphore_mem>>)
      %dma_wait3A_382 = arith.constant 0 : i32
      %dma_wait3A_383 = arith.constant 2 : i32
      %dma_wait3A_384 = arith.constant 0 : i32
      %dma_wait3A_385 = tpu.memref_slice %arg5[%dma_wait3A_383, %dma_wait3A_384] : memref<8x128xi32, #tpu.memory_space<vmem>> -> memref<1x128xi32, #tpu.memory_space<vmem>>
      %dma_wait3A_386 = tpu.memref_squeeze %dma_wait3A_385 : memref<1x128xi32, #tpu.memory_space<vmem>> -> memref<128xi32, #tpu.memory_space<vmem>>
      %dma_wait3A_387 = arith.constant 0 : i32
      %dma_wait3A_388 = tpu.memref_slice %arg3[%dma_wait3A_382, %dma_wait3A_387] : memref<50x16384xi32, #tpu.memory_space<hbm>> -> memref<1x128xi32, #tpu.memory_space<hbm>>
      %dma_wait3A_389 = tpu.memref_squeeze %dma_wait3A_388 : memref<1x128xi32, #tpu.memory_space<hbm>> -> memref<128xi32, #tpu.memory_space<hbm>>
      %dma_wait3A_390 = arith.constant 0 : i32
      %dma_wait3A_391 = tpu.memref_slice %arg5[%dma_wait3A_383, %dma_wait3A_390] : memref<8x128xi32, #tpu.memory_space<vmem>> -> memref<1x128xi32, #tpu.memory_space<vmem>>
      %dma_wait3A_392 = tpu.memref_squeeze %dma_wait3A_391 : memref<1x128xi32, #tpu.memory_space<vmem>> -> memref<128xi32, #tpu.memory_space<vmem>>
      %dma_wait3A_393 = arith.constant 0 : i32
      %dma_wait3A_394 = tpu.memref_slice %arg3[%dma_wait3A_382, %dma_wait3A_393] : memref<50x16384xi32, #tpu.memory_space<hbm>> -> memref<1x128xi32, #tpu.memory_space<hbm>>
      %dma_wait3A_395 = tpu.memref_squeeze %dma_wait3A_394 : memref<1x128xi32, #tpu.memory_space<hbm>> -> memref<128xi32, #tpu.memory_space<hbm>>
      tpu.wait_dma2 semaphore(%arg7 : memref<!tpu.dma_semaphore, #tpu.memory_space<semaphore_mem>>) src(%dma_wait3A_395 : memref<128xi32, #tpu.memory_space<hbm>>) dst(%dma_wait3A_392 : memref<128xi32, #tpu.memory_space<vmem>>)
      %dma_start3A_396 = arith.constant 2 : i32
      %dma_start3A_397 = arith.constant 2 : i32
      %dma_start3A_398 = arith.constant 0 : i32
      %dma_start3A_399 = arith.constant 0 : i32
      %dma_start3A_400 = tpu.memref_slice %arg6[%dma_start3A_397, %dma_start3A_398, %dma_start3A_399] : memref<8x128x32xf32, #tpu.memory_space<vmem>> -> memref<1x128x32xf32, #tpu.memory_space<vmem>>
      %dma_start3A_401 = tpu.memref_squeeze %dma_start3A_400 : memref<1x128x32xf32, #tpu.memory_space<vmem>> -> memref<128x32xf32, #tpu.memory_space<vmem>>
      %dma_start3A_402 = arith.constant 0 : i32
      %dma_start3A_403 = tpu.memref_slice %arg5[%dma_start3A_396, %dma_start3A_402] : memref<8x128xi32, #tpu.memory_space<vmem>> -> memref<1x128xi32, #tpu.memory_space<vmem>>
      %dma_start3A_404 = tpu.memref_squeeze %dma_start3A_403 : memref<1x128xi32, #tpu.memory_space<vmem>> -> memref<128xi32, #tpu.memory_space<vmem>>
      %dma_start3A_405 = arith.constant 0 : i32
      %dma_start3A_406 = arith.constant 0 : i32
      %dma_start3A_407 = tpu.memref_slice %arg2[%dma_start3A_405, %dma_start3A_406] : memref<1000000x32xf32, #tpu.memory_space<hbm>> -> memref<1000000x32xf32, #tpu.memory_space<hbm>>
      tpu.enqueue_indirect_dma source(%dma_start3A_407 : memref<1000000x32xf32, #tpu.memory_space<hbm>>) target(%dma_start3A_401 : memref<128x32xf32, #tpu.memory_space<vmem>>) offsets(%dma_start3A_404 : memref<128xi32, #tpu.memory_space<vmem>>) semaphore(%arg8 : memref<!tpu.dma_semaphore, #tpu.memory_space<semaphore_mem>>)
      %dma_wait3A_408 = arith.constant 0 : i32
      %dma_wait3A_409 = arith.constant 3 : i32
      %dma_wait3A_410 = arith.constant 0 : i32
      %dma_wait3A_411 = tpu.memref_slice %arg5[%dma_wait3A_409, %dma_wait3A_410] : memref<8x128xi32, #tpu.memory_space<vmem>> -> memref<1x128xi32, #tpu.memory_space<vmem>>
      %dma_wait3A_412 = tpu.memref_squeeze %dma_wait3A_411 : memref<1x128xi32, #tpu.memory_space<vmem>> -> memref<128xi32, #tpu.memory_space<vmem>>
      %dma_wait3A_413 = arith.constant 0 : i32
      %dma_wait3A_414 = tpu.memref_slice %arg3[%dma_wait3A_408, %dma_wait3A_413] : memref<50x16384xi32, #tpu.memory_space<hbm>> -> memref<1x128xi32, #tpu.memory_space<hbm>>
      %dma_wait3A_415 = tpu.memref_squeeze %dma_wait3A_414 : memref<1x128xi32, #tpu.memory_space<hbm>> -> memref<128xi32, #tpu.memory_space<hbm>>
      %dma_wait3A_416 = arith.constant 0 : i32
      %dma_wait3A_417 = tpu.memref_slice %arg5[%dma_wait3A_409, %dma_wait3A_416] : memref<8x128xi32, #tpu.memory_space<vmem>> -> memref<1x128xi32, #tpu.memory_space<vmem>>
      %dma_wait3A_418 = tpu.memref_squeeze %dma_wait3A_417 : memref<1x128xi32, #tpu.memory_space<vmem>> -> memref<128xi32, #tpu.memory_space<vmem>>
      %dma_wait3A_419 = arith.constant 0 : i32
      %dma_wait3A_420 = tpu.memref_slice %arg3[%dma_wait3A_408, %dma_wait3A_419] : memref<50x16384xi32, #tpu.memory_space<hbm>> -> memref<1x128xi32, #tpu.memory_space<hbm>>
      %dma_wait3A_421 = tpu.memref_squeeze %dma_wait3A_420 : memref<1x128xi32, #tpu.memory_space<hbm>> -> memref<128xi32, #tpu.memory_space<hbm>>
      tpu.wait_dma2 semaphore(%arg7 : memref<!tpu.dma_semaphore, #tpu.memory_space<semaphore_mem>>) src(%dma_wait3A_421 : memref<128xi32, #tpu.memory_space<hbm>>) dst(%dma_wait3A_418 : memref<128xi32, #tpu.memory_space<vmem>>)
      %dma_start3A_422 = arith.constant 3 : i32
      %dma_start3A_423 = arith.constant 3 : i32
      %dma_start3A_424 = arith.constant 0 : i32
      %dma_start3A_425 = arith.constant 0 : i32
      %dma_start3A_426 = tpu.memref_slice %arg6[%dma_start3A_423, %dma_start3A_424, %dma_start3A_425] : memref<8x128x32xf32, #tpu.memory_space<vmem>> -> memref<1x128x32xf32, #tpu.memory_space<vmem>>
      %dma_start3A_427 = tpu.memref_squeeze %dma_start3A_426 : memref<1x128x32xf32, #tpu.memory_space<vmem>> -> memref<128x32xf32, #tpu.memory_space<vmem>>
      %dma_start3A_428 = arith.constant 0 : i32
      %dma_start3A_429 = tpu.memref_slice %arg5[%dma_start3A_422, %dma_start3A_428] : memref<8x128xi32, #tpu.memory_space<vmem>> -> memref<1x128xi32, #tpu.memory_space<vmem>>
      %dma_start3A_430 = tpu.memref_squeeze %dma_start3A_429 : memref<1x128xi32, #tpu.memory_space<vmem>> -> memref<128xi32, #tpu.memory_space<vmem>>
      %dma_start3A_431 = arith.constant 0 : i32
      %dma_start3A_432 = arith.constant 0 : i32
      %dma_start3A_433 = tpu.memref_slice %arg2[%dma_start3A_431, %dma_start3A_432] : memref<1000000x32xf32, #tpu.memory_space<hbm>> -> memref<1000000x32xf32, #tpu.memory_space<hbm>>
      tpu.enqueue_indirect_dma source(%dma_start3A_433 : memref<1000000x32xf32, #tpu.memory_space<hbm>>) target(%dma_start3A_427 : memref<128x32xf32, #tpu.memory_space<vmem>>) offsets(%dma_start3A_430 : memref<128xi32, #tpu.memory_space<vmem>>) semaphore(%arg8 : memref<!tpu.dma_semaphore, #tpu.memory_space<semaphore_mem>>)
      %dma_wait3A_434 = arith.constant 0 : i32
      %dma_wait3A_435 = arith.constant 4 : i32
      %dma_wait3A_436 = arith.constant 0 : i32
      %dma_wait3A_437 = tpu.memref_slice %arg5[%dma_wait3A_435, %dma_wait3A_436] : memref<8x128xi32, #tpu.memory_space<vmem>> -> memref<1x128xi32, #tpu.memory_space<vmem>>
      %dma_wait3A_438 = tpu.memref_squeeze %dma_wait3A_437 : memref<1x128xi32, #tpu.memory_space<vmem>> -> memref<128xi32, #tpu.memory_space<vmem>>
      %dma_wait3A_439 = arith.constant 0 : i32
      %dma_wait3A_440 = tpu.memref_slice %arg3[%dma_wait3A_434, %dma_wait3A_439] : memref<50x16384xi32, #tpu.memory_space<hbm>> -> memref<1x128xi32, #tpu.memory_space<hbm>>
      %dma_wait3A_441 = tpu.memref_squeeze %dma_wait3A_440 : memref<1x128xi32, #tpu.memory_space<hbm>> -> memref<128xi32, #tpu.memory_space<hbm>>
      %dma_wait3A_442 = arith.constant 0 : i32
      %dma_wait3A_443 = tpu.memref_slice %arg5[%dma_wait3A_435, %dma_wait3A_442] : memref<8x128xi32, #tpu.memory_space<vmem>> -> memref<1x128xi32, #tpu.memory_space<vmem>>
      %dma_wait3A_444 = tpu.memref_squeeze %dma_wait3A_443 : memref<1x128xi32, #tpu.memory_space<vmem>> -> memref<128xi32, #tpu.memory_space<vmem>>
      %dma_wait3A_445 = arith.constant 0 : i32
      %dma_wait3A_446 = tpu.memref_slice %arg3[%dma_wait3A_434, %dma_wait3A_445] : memref<50x16384xi32, #tpu.memory_space<hbm>> -> memref<1x128xi32, #tpu.memory_space<hbm>>
      %dma_wait3A_447 = tpu.memref_squeeze %dma_wait3A_446 : memref<1x128xi32, #tpu.memory_space<hbm>> -> memref<128xi32, #tpu.memory_space<hbm>>
      tpu.wait_dma2 semaphore(%arg7 : memref<!tpu.dma_semaphore, #tpu.memory_space<semaphore_mem>>) src(%dma_wait3A_447 : memref<128xi32, #tpu.memory_space<hbm>>) dst(%dma_wait3A_444 : memref<128xi32, #tpu.memory_space<vmem>>)
      %dma_start3A_448 = arith.constant 4 : i32
      %dma_start3A_449 = arith.constant 4 : i32
      %dma_start3A_450 = arith.constant 0 : i32
      %dma_start3A_451 = arith.constant 0 : i32
      %dma_start3A_452 = tpu.memref_slice %arg6[%dma_start3A_449, %dma_start3A_450, %dma_start3A_451] : memref<8x128x32xf32, #tpu.memory_space<vmem>> -> memref<1x128x32xf32, #tpu.memory_space<vmem>>
      %dma_start3A_453 = tpu.memref_squeeze %dma_start3A_452 : memref<1x128x32xf32, #tpu.memory_space<vmem>> -> memref<128x32xf32, #tpu.memory_space<vmem>>
      %dma_start3A_454 = arith.constant 0 : i32
      %dma_start3A_455 = tpu.memref_slice %arg5[%dma_start3A_448, %dma_start3A_454] : memref<8x128xi32, #tpu.memory_space<vmem>> -> memref<1x128xi32, #tpu.memory_space<vmem>>
      %dma_start3A_456 = tpu.memref_squeeze %dma_start3A_455 : memref<1x128xi32, #tpu.memory_space<vmem>> -> memref<128xi32, #tpu.memory_space<vmem>>
      %dma_start3A_457 = arith.constant 0 : i32
      %dma_start3A_458 = arith.constant 0 : i32
      %dma_start3A_459 = tpu.memref_slice %arg2[%dma_start3A_457, %dma_start3A_458] : memref<1000000x32xf32, #tpu.memory_space<hbm>> -> memref<1000000x32xf32, #tpu.memory_space<hbm>>
      tpu.enqueue_indirect_dma source(%dma_start3A_459 : memref<1000000x32xf32, #tpu.memory_space<hbm>>) target(%dma_start3A_453 : memref<128x32xf32, #tpu.memory_space<vmem>>) offsets(%dma_start3A_456 : memref<128xi32, #tpu.memory_space<vmem>>) semaphore(%arg8 : memref<!tpu.dma_semaphore, #tpu.memory_space<semaphore_mem>>)
      %dma_wait3A_460 = arith.constant 0 : i32
      %dma_wait3A_461 = arith.constant 5 : i32
      %dma_wait3A_462 = arith.constant 0 : i32
      %dma_wait3A_463 = tpu.memref_slice %arg5[%dma_wait3A_461, %dma_wait3A_462] : memref<8x128xi32, #tpu.memory_space<vmem>> -> memref<1x128xi32, #tpu.memory_space<vmem>>
      %dma_wait3A_464 = tpu.memref_squeeze %dma_wait3A_463 : memref<1x128xi32, #tpu.memory_space<vmem>> -> memref<128xi32, #tpu.memory_space<vmem>>
      %dma_wait3A_465 = arith.constant 0 : i32
      %dma_wait3A_466 = tpu.memref_slice %arg3[%dma_wait3A_460, %dma_wait3A_465] : memref<50x16384xi32, #tpu.memory_space<hbm>> -> memref<1x128xi32, #tpu.memory_space<hbm>>
      %dma_wait3A_467 = tpu.memref_squeeze %dma_wait3A_466 : memref<1x128xi32, #tpu.memory_space<hbm>> -> memref<128xi32, #tpu.memory_space<hbm>>
      %dma_wait3A_468 = arith.constant 0 : i32
      %dma_wait3A_469 = tpu.memref_slice %arg5[%dma_wait3A_461, %dma_wait3A_468] : memref<8x128xi32, #tpu.memory_space<vmem>> -> memref<1x128xi32, #tpu.memory_space<vmem>>
      %dma_wait3A_470 = tpu.memref_squeeze %dma_wait3A_469 : memref<1x128xi32, #tpu.memory_space<vmem>> -> memref<128xi32, #tpu.memory_space<vmem>>
      %dma_wait3A_471 = arith.constant 0 : i32
      %dma_wait3A_472 = tpu.memref_slice %arg3[%dma_wait3A_460, %dma_wait3A_471] : memref<50x16384xi32, #tpu.memory_space<hbm>> -> memref<1x128xi32, #tpu.memory_space<hbm>>
      %dma_wait3A_473 = tpu.memref_squeeze %dma_wait3A_472 : memref<1x128xi32, #tpu.memory_space<hbm>> -> memref<128xi32, #tpu.memory_space<hbm>>
      tpu.wait_dma2 semaphore(%arg7 : memref<!tpu.dma_semaphore, #tpu.memory_space<semaphore_mem>>) src(%dma_wait3A_473 : memref<128xi32, #tpu.memory_space<hbm>>) dst(%dma_wait3A_470 : memref<128xi32, #tpu.memory_space<vmem>>)
      %dma_start3A_474 = arith.constant 5 : i32
      %dma_start3A_475 = arith.constant 5 : i32
      %dma_start3A_476 = arith.constant 0 : i32
      %dma_start3A_477 = arith.constant 0 : i32
      %dma_start3A_478 = tpu.memref_slice %arg6[%dma_start3A_475, %dma_start3A_476, %dma_start3A_477] : memref<8x128x32xf32, #tpu.memory_space<vmem>> -> memref<1x128x32xf32, #tpu.memory_space<vmem>>
      %dma_start3A_479 = tpu.memref_squeeze %dma_start3A_478 : memref<1x128x32xf32, #tpu.memory_space<vmem>> -> memref<128x32xf32, #tpu.memory_space<vmem>>
      %dma_start3A_480 = arith.constant 0 : i32
      %dma_start3A_481 = tpu.memref_slice %arg5[%dma_start3A_474, %dma_start3A_480] : memref<8x128xi32, #tpu.memory_space<vmem>> -> memref<1x128xi32, #tpu.memory_space<vmem>>
      %dma_start3A_482 = tpu.memref_squeeze %dma_start3A_481 : memref<1x128xi32, #tpu.memory_space<vmem>> -> memref<128xi32, #tpu.memory_space<vmem>>
      %dma_start3A_483 = arith.constant 0 : i32
      %dma_start3A_484 = arith.constant 0 : i32
      %dma_start3A_485 = tpu.memref_slice %arg2[%dma_start3A_483, %dma_start3A_484] : memref<1000000x32xf32, #tpu.memory_space<hbm>> -> memref<1000000x32xf32, #tpu.memory_space<hbm>>
      tpu.enqueue_indirect_dma source(%dma_start3A_485 : memref<1000000x32xf32, #tpu.memory_space<hbm>>) target(%dma_start3A_479 : memref<128x32xf32, #tpu.memory_space<vmem>>) offsets(%dma_start3A_482 : memref<128xi32, #tpu.memory_space<vmem>>) semaphore(%arg8 : memref<!tpu.dma_semaphore, #tpu.memory_space<semaphore_mem>>)
      %dma_wait3A_486 = arith.constant 0 : i32
      %dma_wait3A_487 = arith.constant 6 : i32
      %dma_wait3A_488 = arith.constant 0 : i32
      %dma_wait3A_489 = tpu.memref_slice %arg5[%dma_wait3A_487, %dma_wait3A_488] : memref<8x128xi32, #tpu.memory_space<vmem>> -> memref<1x128xi32, #tpu.memory_space<vmem>>
      %dma_wait3A_490 = tpu.memref_squeeze %dma_wait3A_489 : memref<1x128xi32, #tpu.memory_space<vmem>> -> memref<128xi32, #tpu.memory_space<vmem>>
      %dma_wait3A_491 = arith.constant 0 : i32
      %dma_wait3A_492 = tpu.memref_slice %arg3[%dma_wait3A_486, %dma_wait3A_491] : memref<50x16384xi32, #tpu.memory_space<hbm>> -> memref<1x128xi32, #tpu.memory_space<hbm>>
      %dma_wait3A_493 = tpu.memref_squeeze %dma_wait3A_492 : memref<1x128xi32, #tpu.memory_space<hbm>> -> memref<128xi32, #tpu.memory_space<hbm>>
      %dma_wait3A_494 = arith.constant 0 : i32
      %dma_wait3A_495 = tpu.memref_slice %arg5[%dma_wait3A_487, %dma_wait3A_494] : memref<8x128xi32, #tpu.memory_space<vmem>> -> memref<1x128xi32, #tpu.memory_space<vmem>>
      %dma_wait3A_496 = tpu.memref_squeeze %dma_wait3A_495 : memref<1x128xi32, #tpu.memory_space<vmem>> -> memref<128xi32, #tpu.memory_space<vmem>>
      %dma_wait3A_497 = arith.constant 0 : i32
      %dma_wait3A_498 = tpu.memref_slice %arg3[%dma_wait3A_486, %dma_wait3A_497] : memref<50x16384xi32, #tpu.memory_space<hbm>> -> memref<1x128xi32, #tpu.memory_space<hbm>>
      %dma_wait3A_499 = tpu.memref_squeeze %dma_wait3A_498 : memref<1x128xi32, #tpu.memory_space<hbm>> -> memref<128xi32, #tpu.memory_space<hbm>>
      tpu.wait_dma2 semaphore(%arg7 : memref<!tpu.dma_semaphore, #tpu.memory_space<semaphore_mem>>) src(%dma_wait3A_499 : memref<128xi32, #tpu.memory_space<hbm>>) dst(%dma_wait3A_496 : memref<128xi32, #tpu.memory_space<vmem>>)
      %dma_start3A_500 = arith.constant 6 : i32
      %dma_start3A_501 = arith.constant 6 : i32
      %dma_start3A_502 = arith.constant 0 : i32
      %dma_start3A_503 = arith.constant 0 : i32
      %dma_start3A_504 = tpu.memref_slice %arg6[%dma_start3A_501, %dma_start3A_502, %dma_start3A_503] : memref<8x128x32xf32, #tpu.memory_space<vmem>> -> memref<1x128x32xf32, #tpu.memory_space<vmem>>
      %dma_start3A_505 = tpu.memref_squeeze %dma_start3A_504 : memref<1x128x32xf32, #tpu.memory_space<vmem>> -> memref<128x32xf32, #tpu.memory_space<vmem>>
      %dma_start3A_506 = arith.constant 0 : i32
      %dma_start3A_507 = tpu.memref_slice %arg5[%dma_start3A_500, %dma_start3A_506] : memref<8x128xi32, #tpu.memory_space<vmem>> -> memref<1x128xi32, #tpu.memory_space<vmem>>
      %dma_start3A_508 = tpu.memref_squeeze %dma_start3A_507 : memref<1x128xi32, #tpu.memory_space<vmem>> -> memref<128xi32, #tpu.memory_space<vmem>>
      %dma_start3A_509 = arith.constant 0 : i32
      %dma_start3A_510 = arith.constant 0 : i32
      %dma_start3A_511 = tpu.memref_slice %arg2[%dma_start3A_509, %dma_start3A_510] : memref<1000000x32xf32, #tpu.memory_space<hbm>> -> memref<1000000x32xf32, #tpu.memory_space<hbm>>
      tpu.enqueue_indirect_dma source(%dma_start3A_511 : memref<1000000x32xf32, #tpu.memory_space<hbm>>) target(%dma_start3A_505 : memref<128x32xf32, #tpu.memory_space<vmem>>) offsets(%dma_start3A_508 : memref<128xi32, #tpu.memory_space<vmem>>) semaphore(%arg8 : memref<!tpu.dma_semaphore, #tpu.memory_space<semaphore_mem>>)
      %dma_wait3A_512 = arith.constant 0 : i32
      %dma_wait3A_513 = arith.constant 7 : i32
      %dma_wait3A_514 = arith.constant 0 : i32
      %dma_wait3A_515 = tpu.memref_slice %arg5[%dma_wait3A_513, %dma_wait3A_514] : memref<8x128xi32, #tpu.memory_space<vmem>> -> memref<1x128xi32, #tpu.memory_space<vmem>>
      %dma_wait3A_516 = tpu.memref_squeeze %dma_wait3A_515 : memref<1x128xi32, #tpu.memory_space<vmem>> -> memref<128xi32, #tpu.memory_space<vmem>>
      %dma_wait3A_517 = arith.constant 0 : i32
      %dma_wait3A_518 = tpu.memref_slice %arg3[%dma_wait3A_512, %dma_wait3A_517] : memref<50x16384xi32, #tpu.memory_space<hbm>> -> memref<1x128xi32, #tpu.memory_space<hbm>>
      %dma_wait3A_519 = tpu.memref_squeeze %dma_wait3A_518 : memref<1x128xi32, #tpu.memory_space<hbm>> -> memref<128xi32, #tpu.memory_space<hbm>>
      %dma_wait3A_520 = arith.constant 0 : i32
      %dma_wait3A_521 = tpu.memref_slice %arg5[%dma_wait3A_513, %dma_wait3A_520] : memref<8x128xi32, #tpu.memory_space<vmem>> -> memref<1x128xi32, #tpu.memory_space<vmem>>
      %dma_wait3A_522 = tpu.memref_squeeze %dma_wait3A_521 : memref<1x128xi32, #tpu.memory_space<vmem>> -> memref<128xi32, #tpu.memory_space<vmem>>
      %dma_wait3A_523 = arith.constant 0 : i32
      %dma_wait3A_524 = tpu.memref_slice %arg3[%dma_wait3A_512, %dma_wait3A_523] : memref<50x16384xi32, #tpu.memory_space<hbm>> -> memref<1x128xi32, #tpu.memory_space<hbm>>
      %dma_wait3A_525 = tpu.memref_squeeze %dma_wait3A_524 : memref<1x128xi32, #tpu.memory_space<hbm>> -> memref<128xi32, #tpu.memory_space<hbm>>
      tpu.wait_dma2 semaphore(%arg7 : memref<!tpu.dma_semaphore, #tpu.memory_space<semaphore_mem>>) src(%dma_wait3A_525 : memref<128xi32, #tpu.memory_space<hbm>>) dst(%dma_wait3A_522 : memref<128xi32, #tpu.memory_space<vmem>>)
      %dma_start3A_526 = arith.constant 7 : i32
      %dma_start3A_527 = arith.constant 7 : i32
      %dma_start3A_528 = arith.constant 0 : i32
      %dma_start3A_529 = arith.constant 0 : i32
      %dma_start3A_530 = tpu.memref_slice %arg6[%dma_start3A_527, %dma_start3A_528, %dma_start3A_529] : memref<8x128x32xf32, #tpu.memory_space<vmem>> -> memref<1x128x32xf32, #tpu.memory_space<vmem>>
      %dma_start3A_531 = tpu.memref_squeeze %dma_start3A_530 : memref<1x128x32xf32, #tpu.memory_space<vmem>> -> memref<128x32xf32, #tpu.memory_space<vmem>>
      %dma_start3A_532 = arith.constant 0 : i32
      %dma_start3A_533 = tpu.memref_slice %arg5[%dma_start3A_526, %dma_start3A_532] : memref<8x128xi32, #tpu.memory_space<vmem>> -> memref<1x128xi32, #tpu.memory_space<vmem>>
      %dma_start3A_534 = tpu.memref_squeeze %dma_start3A_533 : memref<1x128xi32, #tpu.memory_space<vmem>> -> memref<128xi32, #tpu.memory_space<vmem>>
      %dma_start3A_535 = arith.constant 0 : i32
      %dma_start3A_536 = arith.constant 0 : i32
      %dma_start3A_537 = tpu.memref_slice %arg2[%dma_start3A_535, %dma_start3A_536] : memref<1000000x32xf32, #tpu.memory_space<hbm>> -> memref<1000000x32xf32, #tpu.memory_space<hbm>>
      tpu.enqueue_indirect_dma source(%dma_start3A_537 : memref<1000000x32xf32, #tpu.memory_space<hbm>>) target(%dma_start3A_531 : memref<128x32xf32, #tpu.memory_space<vmem>>) offsets(%dma_start3A_534 : memref<128xi32, #tpu.memory_space<vmem>>) semaphore(%arg8 : memref<!tpu.dma_semaphore, #tpu.memory_space<semaphore_mem>>)
      %add3A_538 = arith.constant 0 : i32
      %add3A_539 = arith.addi %add3A_330, %add3A_538 : i32
      %add3A_540 = arith.addi %mul3A_2, %add3A_539 : i32
      %jit3A_541 = arith.constant 128 : i32
      %div3A_542 = arith.divsi %add3A_540, %jit3A_541 : i32
      %sign3A_543 = arith.constant 0 : i32
      %sign3A_544 = arith.cmpi sgt, %add3A_540, %sign3A_543 : i32
      %sign3A_545 = arith.extui %sign3A_544 : i1 to i32
      %sign3A_546 = arith.constant 0 : i32
      %sign3A_547 = arith.cmpi slt, %add3A_540, %sign3A_546 : i32
      %sign3A_548 = arith.extui %sign3A_547 : i1 to i32
      %sign3A_549 = arith.subi %sign3A_545, %sign3A_548 : i32
      %sign3A_550 = arith.constant 0 : i32
      %sign3A_551 = arith.cmpi sgt, %jit3A_541, %sign3A_550 : i32
      %sign3A_552 = arith.extui %sign3A_551 : i1 to i32
      %sign3A_553 = arith.constant 0 : i32
      %sign3A_554 = arith.cmpi slt, %jit3A_541, %sign3A_553 : i32
      %sign3A_555 = arith.extui %sign3A_554 : i1 to i32
      %sign3A_556 = arith.subi %sign3A_552, %sign3A_555 : i32
      %ne3A_557 = arith.cmpi ne, %sign3A_549, %sign3A_556 : i32
      %rem3A_558 = arith.remsi %add3A_540, %jit3A_541 : i32
      %ne3A_559 = arith.constant 0 : i32
      %ne3A_560 = arith.cmpi ne, %rem3A_558, %ne3A_559 : i32
      %and3A_561 = arith.andi %ne3A_557, %ne3A_560 : i1
      %sub3A_562 = arith.constant 1 : i32
      %sub3A_563 = arith.subi %div3A_542, %sub3A_562 : i32
      %select_n3A_564 = arith.select %and3A_561, %sub3A_563, %div3A_542 : i32
      %rem3A_565 = arith.constant 128 : i32
      %rem3A_566 = arith.remsi %add3A_540, %rem3A_565 : i32
      %dma_wait3A_567 = arith.constant 0 : i32
      %dma_wait3A_568 = arith.constant 0 : i32
      %dma_wait3A_569 = arith.constant 0 : i32
      %dma_wait3A_570 = arith.constant 0 : i32
      %dma_wait3A_571 = tpu.memref_slice %arg6[%dma_wait3A_568, %dma_wait3A_569, %dma_wait3A_570] : memref<8x128x32xf32, #tpu.memory_space<vmem>> -> memref<1x128x32xf32, #tpu.memory_space<vmem>>
      %dma_wait3A_572 = tpu.memref_squeeze %dma_wait3A_571 : memref<1x128x32xf32, #tpu.memory_space<vmem>> -> memref<128x32xf32, #tpu.memory_space<vmem>>
      %dma_wait3A_573 = arith.constant 0 : i32
      %dma_wait3A_574 = tpu.memref_slice %arg5[%dma_wait3A_567, %dma_wait3A_573] : memref<8x128xi32, #tpu.memory_space<vmem>> -> memref<1x128xi32, #tpu.memory_space<vmem>>
      %dma_wait3A_575 = tpu.memref_squeeze %dma_wait3A_574 : memref<1x128xi32, #tpu.memory_space<vmem>> -> memref<128xi32, #tpu.memory_space<vmem>>
      %dma_wait3A_576 = arith.constant 0 : i32
      %dma_wait3A_577 = arith.constant 0 : i32
      %dma_wait3A_578 = tpu.memref_slice %arg2[%dma_wait3A_576, %dma_wait3A_577] : memref<1000000x32xf32, #tpu.memory_space<hbm>> -> memref<1000000x32xf32, #tpu.memory_space<hbm>>
      tpu.wait_indirect_dma semaphore(%arg8 : memref<!tpu.dma_semaphore, #tpu.memory_space<semaphore_mem>>) src(%dma_wait3A_578 : memref<1000000x32xf32, #tpu.memory_space<hbm>>) dst(%dma_wait3A_572 : memref<128x32xf32, #tpu.memory_space<vmem>>)
      %mul3A_579 = arith.constant 128 : i32
      %mul3A_580 = arith.muli %rem3A_566, %mul3A_579 : i32
      %dma_start3A_581 = arith.constant 0 : i32
      %dma_start3A_582 = arith.constant 0 : i32
      %dma_start3A_583 = arith.constant 0 : i32
      %dma_start3A_584 = tpu.memref_slice %arg6[%dma_start3A_581, %dma_start3A_582, %dma_start3A_583] : memref<8x128x32xf32, #tpu.memory_space<vmem>> -> memref<1x128x32xf32, #tpu.memory_space<vmem>>
      %dma_start3A_585 = tpu.memref_squeeze %dma_start3A_584 : memref<1x128x32xf32, #tpu.memory_space<vmem>> -> memref<128x32xf32, #tpu.memory_space<vmem>>
      %dma_start3A_586 = arith.constant 0 : i32
      %dma_start3A_587 = tpu.memref_slice %arg4[%select_n3A_564, %mul3A_580, %dma_start3A_586] : memref<50x16384x32xf32, #tpu.memory_space<hbm>> -> memref<1x128x32xf32, #tpu.memory_space<hbm>>
      %dma_start3A_588 = tpu.memref_squeeze %dma_start3A_587 : memref<1x128x32xf32, #tpu.memory_space<hbm>> -> memref<128x32xf32, #tpu.memory_space<hbm>>
      %dma_start3A_589 = arith.constant 0 : i32
      %dma_start3A_590 = tpu.memref_slice %arg4[%select_n3A_564, %mul3A_580, %dma_start3A_589] : memref<50x16384x32xf32, #tpu.memory_space<hbm>> -> memref<1x128x32xf32, #tpu.memory_space<hbm>>
      %dma_start3A_591 = tpu.memref_squeeze %dma_start3A_590 : memref<1x128x32xf32, #tpu.memory_space<hbm>> -> memref<128x32xf32, #tpu.memory_space<hbm>>
      %dma_start3A_592 = arith.constant 0 : i32
      %dma_start3A_593 = arith.constant 0 : i32
      %dma_start3A_594 = tpu.memref_slice %arg6[%dma_start3A_581, %dma_start3A_592, %dma_start3A_593] : memref<8x128x32xf32, #tpu.memory_space<vmem>> -> memref<1x128x32xf32, #tpu.memory_space<vmem>>
      %dma_start3A_595 = tpu.memref_squeeze %dma_start3A_594 : memref<1x128x32xf32, #tpu.memory_space<vmem>> -> memref<128x32xf32, #tpu.memory_space<vmem>>
      tpu.enqueue_dma source(%dma_start3A_595 : memref<128x32xf32, #tpu.memory_space<vmem>>) target(%dma_start3A_591 : memref<128x32xf32, #tpu.memory_space<hbm>>) target_semaphore(%arg9 : memref<!tpu.dma_semaphore, #tpu.memory_space<semaphore_mem>>)
      %add3A_596 = arith.constant 8 : i32
      %add3A_597 = arith.addi %add3A_539, %add3A_596 : i32
      %lt3A = arith.constant 200 : i32
      %lt3A_598 = arith.cmpi slt, %add3A_597, %lt3A : i32
      %convert_element_type3A = arith.extui %lt3A_598 : i1 to i32
      %cond3A = arith.constant 0 : i32
      %cond3A_599 = arith.cmpi ne, %convert_element_type3A, %cond3A : i32
      scf.if %cond3A_599 {
        %add3A_1175 = arith.addi %mul3A_2, %add3A_597 : i32
        %jit3A_1176 = arith.constant 128 : i32
        %div3A_1177 = arith.divsi %add3A_1175, %jit3A_1176 : i32
        %sign3A_1178 = arith.constant 0 : i32
        %sign3A_1179 = arith.cmpi sgt, %add3A_1175, %sign3A_1178 : i32
        %sign3A_1180 = arith.extui %sign3A_1179 : i1 to i32
        %sign3A_1181 = arith.constant 0 : i32
        %sign3A_1182 = arith.cmpi slt, %add3A_1175, %sign3A_1181 : i32
        %sign3A_1183 = arith.extui %sign3A_1182 : i1 to i32
        %sign3A_1184 = arith.subi %sign3A_1180, %sign3A_1183 : i32
        %sign3A_1185 = arith.constant 0 : i32
        %sign3A_1186 = arith.cmpi sgt, %jit3A_1176, %sign3A_1185 : i32
        %sign3A_1187 = arith.extui %sign3A_1186 : i1 to i32
        %sign3A_1188 = arith.constant 0 : i32
        %sign3A_1189 = arith.cmpi slt, %jit3A_1176, %sign3A_1188 : i32
        %sign3A_1190 = arith.extui %sign3A_1189 : i1 to i32
        %sign3A_1191 = arith.subi %sign3A_1187, %sign3A_1190 : i32
        %ne3A_1192 = arith.cmpi ne, %sign3A_1184, %sign3A_1191 : i32
        %rem3A_1193 = arith.remsi %add3A_1175, %jit3A_1176 : i32
        %ne3A_1194 = arith.constant 0 : i32
        %ne3A_1195 = arith.cmpi ne, %rem3A_1193, %ne3A_1194 : i32
        %and3A_1196 = arith.andi %ne3A_1192, %ne3A_1195 : i1
        %sub3A_1197 = arith.constant 1 : i32
        %sub3A_1198 = arith.subi %div3A_1177, %sub3A_1197 : i32
        %select_n3A_1199 = arith.select %and3A_1196, %sub3A_1198, %div3A_1177 : i32
        %rem3A_1200 = arith.constant 128 : i32
        %rem3A_1201 = arith.remsi %add3A_1175, %rem3A_1200 : i32
        %mul3A_1202 = arith.constant 128 : i32
        %mul3A_1203 = arith.muli %rem3A_1201, %mul3A_1202 : i32
        %dma_start3A_1204 = arith.constant 0 : i32
        %dma_start3A_1205 = arith.constant 0 : i32
        %dma_start3A_1206 = tpu.memref_slice %arg5[%dma_start3A_1204, %dma_start3A_1205] : memref<8x128xi32, #tpu.memory_space<vmem>> -> memref<1x128xi32, #tpu.memory_space<vmem>>
        %dma_start3A_1207 = tpu.memref_squeeze %dma_start3A_1206 : memref<1x128xi32, #tpu.memory_space<vmem>> -> memref<128xi32, #tpu.memory_space<vmem>>
        %dma_start3A_1208 = tpu.memref_slice %arg3[%select_n3A_1199, %mul3A_1203] : memref<50x16384xi32, #tpu.memory_space<hbm>> -> memref<1x128xi32, #tpu.memory_space<hbm>>
        %dma_start3A_1209 = tpu.memref_squeeze %dma_start3A_1208 : memref<1x128xi32, #tpu.memory_space<hbm>> -> memref<128xi32, #tpu.memory_space<hbm>>
        %dma_start3A_1210 = arith.constant 0 : i32
        %dma_start3A_1211 = tpu.memref_slice %arg5[%dma_start3A_1204, %dma_start3A_1210] : memref<8x128xi32, #tpu.memory_space<vmem>> -> memref<1x128xi32, #tpu.memory_space<vmem>>
        %dma_start3A_1212 = tpu.memref_squeeze %dma_start3A_1211 : memref<1x128xi32, #tpu.memory_space<vmem>> -> memref<128xi32, #tpu.memory_space<vmem>>
        %dma_start3A_1213 = tpu.memref_slice %arg3[%select_n3A_1199, %mul3A_1203] : memref<50x16384xi32, #tpu.memory_space<hbm>> -> memref<1x128xi32, #tpu.memory_space<hbm>>
        %dma_start3A_1214 = tpu.memref_squeeze %dma_start3A_1213 : memref<1x128xi32, #tpu.memory_space<hbm>> -> memref<128xi32, #tpu.memory_space<hbm>>
        tpu.enqueue_dma source(%dma_start3A_1214 : memref<128xi32, #tpu.memory_space<hbm>>) target(%dma_start3A_1212 : memref<128xi32, #tpu.memory_space<vmem>>) target_semaphore(%arg7 : memref<!tpu.dma_semaphore, #tpu.memory_space<semaphore_mem>>)
      } else {
      }
      %add3A_600 = arith.constant 1 : i32
      %add3A_601 = arith.addi %add3A_330, %add3A_600 : i32
      %add3A_602 = arith.addi %mul3A_2, %add3A_601 : i32
      %jit3A_603 = arith.constant 128 : i32
      %div3A_604 = arith.divsi %add3A_602, %jit3A_603 : i32
      %sign3A_605 = arith.constant 0 : i32
      %sign3A_606 = arith.cmpi sgt, %add3A_602, %sign3A_605 : i32
      %sign3A_607 = arith.extui %sign3A_606 : i1 to i32
      %sign3A_608 = arith.constant 0 : i32
      %sign3A_609 = arith.cmpi slt, %add3A_602, %sign3A_608 : i32
      %sign3A_610 = arith.extui %sign3A_609 : i1 to i32
      %sign3A_611 = arith.subi %sign3A_607, %sign3A_610 : i32
      %sign3A_612 = arith.constant 0 : i32
      %sign3A_613 = arith.cmpi sgt, %jit3A_603, %sign3A_612 : i32
      %sign3A_614 = arith.extui %sign3A_613 : i1 to i32
      %sign3A_615 = arith.constant 0 : i32
      %sign3A_616 = arith.cmpi slt, %jit3A_603, %sign3A_615 : i32
      %sign3A_617 = arith.extui %sign3A_616 : i1 to i32
      %sign3A_618 = arith.subi %sign3A_614, %sign3A_617 : i32
      %ne3A_619 = arith.cmpi ne, %sign3A_611, %sign3A_618 : i32
      %rem3A_620 = arith.remsi %add3A_602, %jit3A_603 : i32
      %ne3A_621 = arith.constant 0 : i32
      %ne3A_622 = arith.cmpi ne, %rem3A_620, %ne3A_621 : i32
      %and3A_623 = arith.andi %ne3A_619, %ne3A_622 : i1
      %sub3A_624 = arith.constant 1 : i32
      %sub3A_625 = arith.subi %div3A_604, %sub3A_624 : i32
      %select_n3A_626 = arith.select %and3A_623, %sub3A_625, %div3A_604 : i32
      %rem3A_627 = arith.constant 128 : i32
      %rem3A_628 = arith.remsi %add3A_602, %rem3A_627 : i32
      %dma_wait3A_629 = arith.constant 1 : i32
      %dma_wait3A_630 = arith.constant 1 : i32
      %dma_wait3A_631 = arith.constant 0 : i32
      %dma_wait3A_632 = arith.constant 0 : i32
      %dma_wait3A_633 = tpu.memref_slice %arg6[%dma_wait3A_630, %dma_wait3A_631, %dma_wait3A_632] : memref<8x128x32xf32, #tpu.memory_space<vmem>> -> memref<1x128x32xf32, #tpu.memory_space<vmem>>
      %dma_wait3A_634 = tpu.memref_squeeze %dma_wait3A_633 : memref<1x128x32xf32, #tpu.memory_space<vmem>> -> memref<128x32xf32, #tpu.memory_space<vmem>>
      %dma_wait3A_635 = arith.constant 0 : i32
      %dma_wait3A_636 = tpu.memref_slice %arg5[%dma_wait3A_629, %dma_wait3A_635] : memref<8x128xi32, #tpu.memory_space<vmem>> -> memref<1x128xi32, #tpu.memory_space<vmem>>
      %dma_wait3A_637 = tpu.memref_squeeze %dma_wait3A_636 : memref<1x128xi32, #tpu.memory_space<vmem>> -> memref<128xi32, #tpu.memory_space<vmem>>
      %dma_wait3A_638 = arith.constant 0 : i32
      %dma_wait3A_639 = arith.constant 0 : i32
      %dma_wait3A_640 = tpu.memref_slice %arg2[%dma_wait3A_638, %dma_wait3A_639] : memref<1000000x32xf32, #tpu.memory_space<hbm>> -> memref<1000000x32xf32, #tpu.memory_space<hbm>>
      tpu.wait_indirect_dma semaphore(%arg8 : memref<!tpu.dma_semaphore, #tpu.memory_space<semaphore_mem>>) src(%dma_wait3A_640 : memref<1000000x32xf32, #tpu.memory_space<hbm>>) dst(%dma_wait3A_634 : memref<128x32xf32, #tpu.memory_space<vmem>>)
      %mul3A_641 = arith.constant 128 : i32
      %mul3A_642 = arith.muli %rem3A_628, %mul3A_641 : i32
      %dma_start3A_643 = arith.constant 1 : i32
      %dma_start3A_644 = arith.constant 0 : i32
      %dma_start3A_645 = arith.constant 0 : i32
      %dma_start3A_646 = tpu.memref_slice %arg6[%dma_start3A_643, %dma_start3A_644, %dma_start3A_645] : memref<8x128x32xf32, #tpu.memory_space<vmem>> -> memref<1x128x32xf32, #tpu.memory_space<vmem>>
      %dma_start3A_647 = tpu.memref_squeeze %dma_start3A_646 : memref<1x128x32xf32, #tpu.memory_space<vmem>> -> memref<128x32xf32, #tpu.memory_space<vmem>>
      %dma_start3A_648 = arith.constant 0 : i32
      %dma_start3A_649 = tpu.memref_slice %arg4[%select_n3A_626, %mul3A_642, %dma_start3A_648] : memref<50x16384x32xf32, #tpu.memory_space<hbm>> -> memref<1x128x32xf32, #tpu.memory_space<hbm>>
      %dma_start3A_650 = tpu.memref_squeeze %dma_start3A_649 : memref<1x128x32xf32, #tpu.memory_space<hbm>> -> memref<128x32xf32, #tpu.memory_space<hbm>>
      %dma_start3A_651 = arith.constant 0 : i32
      %dma_start3A_652 = tpu.memref_slice %arg4[%select_n3A_626, %mul3A_642, %dma_start3A_651] : memref<50x16384x32xf32, #tpu.memory_space<hbm>> -> memref<1x128x32xf32, #tpu.memory_space<hbm>>
      %dma_start3A_653 = tpu.memref_squeeze %dma_start3A_652 : memref<1x128x32xf32, #tpu.memory_space<hbm>> -> memref<128x32xf32, #tpu.memory_space<hbm>>
      %dma_start3A_654 = arith.constant 0 : i32
      %dma_start3A_655 = arith.constant 0 : i32
      %dma_start3A_656 = tpu.memref_slice %arg6[%dma_start3A_643, %dma_start3A_654, %dma_start3A_655] : memref<8x128x32xf32, #tpu.memory_space<vmem>> -> memref<1x128x32xf32, #tpu.memory_space<vmem>>
      %dma_start3A_657 = tpu.memref_squeeze %dma_start3A_656 : memref<1x128x32xf32, #tpu.memory_space<vmem>> -> memref<128x32xf32, #tpu.memory_space<vmem>>
      tpu.enqueue_dma source(%dma_start3A_657 : memref<128x32xf32, #tpu.memory_space<vmem>>) target(%dma_start3A_653 : memref<128x32xf32, #tpu.memory_space<hbm>>) target_semaphore(%arg9 : memref<!tpu.dma_semaphore, #tpu.memory_space<semaphore_mem>>)
      %add3A_658 = arith.constant 8 : i32
      %add3A_659 = arith.addi %add3A_601, %add3A_658 : i32
      %lt3A_660 = arith.constant 200 : i32
      %lt3A_661 = arith.cmpi slt, %add3A_659, %lt3A_660 : i32
      %convert_element_type3A_662 = arith.extui %lt3A_661 : i1 to i32
      %cond3A_663 = arith.constant 0 : i32
      %cond3A_664 = arith.cmpi ne, %convert_element_type3A_662, %cond3A_663 : i32
      scf.if %cond3A_664 {
        %add3A_1175 = arith.addi %mul3A_2, %add3A_659 : i32
        %jit3A_1176 = arith.constant 128 : i32
        %div3A_1177 = arith.divsi %add3A_1175, %jit3A_1176 : i32
        %sign3A_1178 = arith.constant 0 : i32
        %sign3A_1179 = arith.cmpi sgt, %add3A_1175, %sign3A_1178 : i32
        %sign3A_1180 = arith.extui %sign3A_1179 : i1 to i32
        %sign3A_1181 = arith.constant 0 : i32
        %sign3A_1182 = arith.cmpi slt, %add3A_1175, %sign3A_1181 : i32
        %sign3A_1183 = arith.extui %sign3A_1182 : i1 to i32
        %sign3A_1184 = arith.subi %sign3A_1180, %sign3A_1183 : i32
        %sign3A_1185 = arith.constant 0 : i32
        %sign3A_1186 = arith.cmpi sgt, %jit3A_1176, %sign3A_1185 : i32
        %sign3A_1187 = arith.extui %sign3A_1186 : i1 to i32
        %sign3A_1188 = arith.constant 0 : i32
        %sign3A_1189 = arith.cmpi slt, %jit3A_1176, %sign3A_1188 : i32
        %sign3A_1190 = arith.extui %sign3A_1189 : i1 to i32
        %sign3A_1191 = arith.subi %sign3A_1187, %sign3A_1190 : i32
        %ne3A_1192 = arith.cmpi ne, %sign3A_1184, %sign3A_1191 : i32
        %rem3A_1193 = arith.remsi %add3A_1175, %jit3A_1176 : i32
        %ne3A_1194 = arith.constant 0 : i32
        %ne3A_1195 = arith.cmpi ne, %rem3A_1193, %ne3A_1194 : i32
        %and3A_1196 = arith.andi %ne3A_1192, %ne3A_1195 : i1
        %sub3A_1197 = arith.constant 1 : i32
        %sub3A_1198 = arith.subi %div3A_1177, %sub3A_1197 : i32
        %select_n3A_1199 = arith.select %and3A_1196, %sub3A_1198, %div3A_1177 : i32
        %rem3A_1200 = arith.constant 128 : i32
        %rem3A_1201 = arith.remsi %add3A_1175, %rem3A_1200 : i32
        %mul3A_1202 = arith.constant 128 : i32
        %mul3A_1203 = arith.muli %rem3A_1201, %mul3A_1202 : i32
        %dma_start3A_1204 = arith.constant 1 : i32
        %dma_start3A_1205 = arith.constant 0 : i32
        %dma_start3A_1206 = tpu.memref_slice %arg5[%dma_start3A_1204, %dma_start3A_1205] : memref<8x128xi32, #tpu.memory_space<vmem>> -> memref<1x128xi32, #tpu.memory_space<vmem>>
        %dma_start3A_1207 = tpu.memref_squeeze %dma_start3A_1206 : memref<1x128xi32, #tpu.memory_space<vmem>> -> memref<128xi32, #tpu.memory_space<vmem>>
        %dma_start3A_1208 = tpu.memref_slice %arg3[%select_n3A_1199, %mul3A_1203] : memref<50x16384xi32, #tpu.memory_space<hbm>> -> memref<1x128xi32, #tpu.memory_space<hbm>>
        %dma_start3A_1209 = tpu.memref_squeeze %dma_start3A_1208 : memref<1x128xi32, #tpu.memory_space<hbm>> -> memref<128xi32, #tpu.memory_space<hbm>>
        %dma_start3A_1210 = arith.constant 0 : i32
        %dma_start3A_1211 = tpu.memref_slice %arg5[%dma_start3A_1204, %dma_start3A_1210] : memref<8x128xi32, #tpu.memory_space<vmem>> -> memref<1x128xi32, #tpu.memory_space<vmem>>
        %dma_start3A_1212 = tpu.memref_squeeze %dma_start3A_1211 : memref<1x128xi32, #tpu.memory_space<vmem>> -> memref<128xi32, #tpu.memory_space<vmem>>
        %dma_start3A_1213 = tpu.memref_slice %arg3[%select_n3A_1199, %mul3A_1203] : memref<50x16384xi32, #tpu.memory_space<hbm>> -> memref<1x128xi32, #tpu.memory_space<hbm>>
        %dma_start3A_1214 = tpu.memref_squeeze %dma_start3A_1213 : memref<1x128xi32, #tpu.memory_space<hbm>> -> memref<128xi32, #tpu.memory_space<hbm>>
        tpu.enqueue_dma source(%dma_start3A_1214 : memref<128xi32, #tpu.memory_space<hbm>>) target(%dma_start3A_1212 : memref<128xi32, #tpu.memory_space<vmem>>) target_semaphore(%arg7 : memref<!tpu.dma_semaphore, #tpu.memory_space<semaphore_mem>>)
      } else {
      }
      %add3A_665 = arith.constant 2 : i32
      %add3A_666 = arith.addi %add3A_330, %add3A_665 : i32
      %add3A_667 = arith.addi %mul3A_2, %add3A_666 : i32
      %jit3A_668 = arith.constant 128 : i32
      %div3A_669 = arith.divsi %add3A_667, %jit3A_668 : i32
      %sign3A_670 = arith.constant 0 : i32
      %sign3A_671 = arith.cmpi sgt, %add3A_667, %sign3A_670 : i32
      %sign3A_672 = arith.extui %sign3A_671 : i1 to i32
      %sign3A_673 = arith.constant 0 : i32
      %sign3A_674 = arith.cmpi slt, %add3A_667, %sign3A_673 : i32
      %sign3A_675 = arith.extui %sign3A_674 : i1 to i32
      %sign3A_676 = arith.subi %sign3A_672, %sign3A_675 : i32
      %sign3A_677 = arith.constant 0 : i32
      %sign3A_678 = arith.cmpi sgt, %jit3A_668, %sign3A_677 : i32
      %sign3A_679 = arith.extui %sign3A_678 : i1 to i32
      %sign3A_680 = arith.constant 0 : i32
      %sign3A_681 = arith.cmpi slt, %jit3A_668, %sign3A_680 : i32
      %sign3A_682 = arith.extui %sign3A_681 : i1 to i32
      %sign3A_683 = arith.subi %sign3A_679, %sign3A_682 : i32
      %ne3A_684 = arith.cmpi ne, %sign3A_676, %sign3A_683 : i32
      %rem3A_685 = arith.remsi %add3A_667, %jit3A_668 : i32
      %ne3A_686 = arith.constant 0 : i32
      %ne3A_687 = arith.cmpi ne, %rem3A_685, %ne3A_686 : i32
      %and3A_688 = arith.andi %ne3A_684, %ne3A_687 : i1
      %sub3A_689 = arith.constant 1 : i32
      %sub3A_690 = arith.subi %div3A_669, %sub3A_689 : i32
      %select_n3A_691 = arith.select %and3A_688, %sub3A_690, %div3A_669 : i32
      %rem3A_692 = arith.constant 128 : i32
      %rem3A_693 = arith.remsi %add3A_667, %rem3A_692 : i32
      %dma_wait3A_694 = arith.constant 2 : i32
      %dma_wait3A_695 = arith.constant 2 : i32
      %dma_wait3A_696 = arith.constant 0 : i32
      %dma_wait3A_697 = arith.constant 0 : i32
      %dma_wait3A_698 = tpu.memref_slice %arg6[%dma_wait3A_695, %dma_wait3A_696, %dma_wait3A_697] : memref<8x128x32xf32, #tpu.memory_space<vmem>> -> memref<1x128x32xf32, #tpu.memory_space<vmem>>
      %dma_wait3A_699 = tpu.memref_squeeze %dma_wait3A_698 : memref<1x128x32xf32, #tpu.memory_space<vmem>> -> memref<128x32xf32, #tpu.memory_space<vmem>>
      %dma_wait3A_700 = arith.constant 0 : i32
      %dma_wait3A_701 = tpu.memref_slice %arg5[%dma_wait3A_694, %dma_wait3A_700] : memref<8x128xi32, #tpu.memory_space<vmem>> -> memref<1x128xi32, #tpu.memory_space<vmem>>
      %dma_wait3A_702 = tpu.memref_squeeze %dma_wait3A_701 : memref<1x128xi32, #tpu.memory_space<vmem>> -> memref<128xi32, #tpu.memory_space<vmem>>
      %dma_wait3A_703 = arith.constant 0 : i32
      %dma_wait3A_704 = arith.constant 0 : i32
      %dma_wait3A_705 = tpu.memref_slice %arg2[%dma_wait3A_703, %dma_wait3A_704] : memref<1000000x32xf32, #tpu.memory_space<hbm>> -> memref<1000000x32xf32, #tpu.memory_space<hbm>>
      tpu.wait_indirect_dma semaphore(%arg8 : memref<!tpu.dma_semaphore, #tpu.memory_space<semaphore_mem>>) src(%dma_wait3A_705 : memref<1000000x32xf32, #tpu.memory_space<hbm>>) dst(%dma_wait3A_699 : memref<128x32xf32, #tpu.memory_space<vmem>>)
      %mul3A_706 = arith.constant 128 : i32
      %mul3A_707 = arith.muli %rem3A_693, %mul3A_706 : i32
      %dma_start3A_708 = arith.constant 2 : i32
      %dma_start3A_709 = arith.constant 0 : i32
      %dma_start3A_710 = arith.constant 0 : i32
      %dma_start3A_711 = tpu.memref_slice %arg6[%dma_start3A_708, %dma_start3A_709, %dma_start3A_710] : memref<8x128x32xf32, #tpu.memory_space<vmem>> -> memref<1x128x32xf32, #tpu.memory_space<vmem>>
      %dma_start3A_712 = tpu.memref_squeeze %dma_start3A_711 : memref<1x128x32xf32, #tpu.memory_space<vmem>> -> memref<128x32xf32, #tpu.memory_space<vmem>>
      %dma_start3A_713 = arith.constant 0 : i32
      %dma_start3A_714 = tpu.memref_slice %arg4[%select_n3A_691, %mul3A_707, %dma_start3A_713] : memref<50x16384x32xf32, #tpu.memory_space<hbm>> -> memref<1x128x32xf32, #tpu.memory_space<hbm>>
      %dma_start3A_715 = tpu.memref_squeeze %dma_start3A_714 : memref<1x128x32xf32, #tpu.memory_space<hbm>> -> memref<128x32xf32, #tpu.memory_space<hbm>>
      %dma_start3A_716 = arith.constant 0 : i32
      %dma_start3A_717 = tpu.memref_slice %arg4[%select_n3A_691, %mul3A_707, %dma_start3A_716] : memref<50x16384x32xf32, #tpu.memory_space<hbm>> -> memref<1x128x32xf32, #tpu.memory_space<hbm>>
      %dma_start3A_718 = tpu.memref_squeeze %dma_start3A_717 : memref<1x128x32xf32, #tpu.memory_space<hbm>> -> memref<128x32xf32, #tpu.memory_space<hbm>>
      %dma_start3A_719 = arith.constant 0 : i32
      %dma_start3A_720 = arith.constant 0 : i32
      %dma_start3A_721 = tpu.memref_slice %arg6[%dma_start3A_708, %dma_start3A_719, %dma_start3A_720] : memref<8x128x32xf32, #tpu.memory_space<vmem>> -> memref<1x128x32xf32, #tpu.memory_space<vmem>>
      %dma_start3A_722 = tpu.memref_squeeze %dma_start3A_721 : memref<1x128x32xf32, #tpu.memory_space<vmem>> -> memref<128x32xf32, #tpu.memory_space<vmem>>
      tpu.enqueue_dma source(%dma_start3A_722 : memref<128x32xf32, #tpu.memory_space<vmem>>) target(%dma_start3A_718 : memref<128x32xf32, #tpu.memory_space<hbm>>) target_semaphore(%arg9 : memref<!tpu.dma_semaphore, #tpu.memory_space<semaphore_mem>>)
      %add3A_723 = arith.constant 8 : i32
      %add3A_724 = arith.addi %add3A_666, %add3A_723 : i32
      %lt3A_725 = arith.constant 200 : i32
      %lt3A_726 = arith.cmpi slt, %add3A_724, %lt3A_725 : i32
      %convert_element_type3A_727 = arith.extui %lt3A_726 : i1 to i32
      %cond3A_728 = arith.constant 0 : i32
      %cond3A_729 = arith.cmpi ne, %convert_element_type3A_727, %cond3A_728 : i32
      scf.if %cond3A_729 {
        %add3A_1175 = arith.addi %mul3A_2, %add3A_724 : i32
        %jit3A_1176 = arith.constant 128 : i32
        %div3A_1177 = arith.divsi %add3A_1175, %jit3A_1176 : i32
        %sign3A_1178 = arith.constant 0 : i32
        %sign3A_1179 = arith.cmpi sgt, %add3A_1175, %sign3A_1178 : i32
        %sign3A_1180 = arith.extui %sign3A_1179 : i1 to i32
        %sign3A_1181 = arith.constant 0 : i32
        %sign3A_1182 = arith.cmpi slt, %add3A_1175, %sign3A_1181 : i32
        %sign3A_1183 = arith.extui %sign3A_1182 : i1 to i32
        %sign3A_1184 = arith.subi %sign3A_1180, %sign3A_1183 : i32
        %sign3A_1185 = arith.constant 0 : i32
        %sign3A_1186 = arith.cmpi sgt, %jit3A_1176, %sign3A_1185 : i32
        %sign3A_1187 = arith.extui %sign3A_1186 : i1 to i32
        %sign3A_1188 = arith.constant 0 : i32
        %sign3A_1189 = arith.cmpi slt, %jit3A_1176, %sign3A_1188 : i32
        %sign3A_1190 = arith.extui %sign3A_1189 : i1 to i32
        %sign3A_1191 = arith.subi %sign3A_1187, %sign3A_1190 : i32
        %ne3A_1192 = arith.cmpi ne, %sign3A_1184, %sign3A_1191 : i32
        %rem3A_1193 = arith.remsi %add3A_1175, %jit3A_1176 : i32
        %ne3A_1194 = arith.constant 0 : i32
        %ne3A_1195 = arith.cmpi ne, %rem3A_1193, %ne3A_1194 : i32
        %and3A_1196 = arith.andi %ne3A_1192, %ne3A_1195 : i1
        %sub3A_1197 = arith.constant 1 : i32
        %sub3A_1198 = arith.subi %div3A_1177, %sub3A_1197 : i32
        %select_n3A_1199 = arith.select %and3A_1196, %sub3A_1198, %div3A_1177 : i32
        %rem3A_1200 = arith.constant 128 : i32
        %rem3A_1201 = arith.remsi %add3A_1175, %rem3A_1200 : i32
        %mul3A_1202 = arith.constant 128 : i32
        %mul3A_1203 = arith.muli %rem3A_1201, %mul3A_1202 : i32
        %dma_start3A_1204 = arith.constant 2 : i32
        %dma_start3A_1205 = arith.constant 0 : i32
        %dma_start3A_1206 = tpu.memref_slice %arg5[%dma_start3A_1204, %dma_start3A_1205] : memref<8x128xi32, #tpu.memory_space<vmem>> -> memref<1x128xi32, #tpu.memory_space<vmem>>
        %dma_start3A_1207 = tpu.memref_squeeze %dma_start3A_1206 : memref<1x128xi32, #tpu.memory_space<vmem>> -> memref<128xi32, #tpu.memory_space<vmem>>
        %dma_start3A_1208 = tpu.memref_slice %arg3[%select_n3A_1199, %mul3A_1203] : memref<50x16384xi32, #tpu.memory_space<hbm>> -> memref<1x128xi32, #tpu.memory_space<hbm>>
        %dma_start3A_1209 = tpu.memref_squeeze %dma_start3A_1208 : memref<1x128xi32, #tpu.memory_space<hbm>> -> memref<128xi32, #tpu.memory_space<hbm>>
        %dma_start3A_1210 = arith.constant 0 : i32
        %dma_start3A_1211 = tpu.memref_slice %arg5[%dma_start3A_1204, %dma_start3A_1210] : memref<8x128xi32, #tpu.memory_space<vmem>> -> memref<1x128xi32, #tpu.memory_space<vmem>>
        %dma_start3A_1212 = tpu.memref_squeeze %dma_start3A_1211 : memref<1x128xi32, #tpu.memory_space<vmem>> -> memref<128xi32, #tpu.memory_space<vmem>>
        %dma_start3A_1213 = tpu.memref_slice %arg3[%select_n3A_1199, %mul3A_1203] : memref<50x16384xi32, #tpu.memory_space<hbm>> -> memref<1x128xi32, #tpu.memory_space<hbm>>
        %dma_start3A_1214 = tpu.memref_squeeze %dma_start3A_1213 : memref<1x128xi32, #tpu.memory_space<hbm>> -> memref<128xi32, #tpu.memory_space<hbm>>
        tpu.enqueue_dma source(%dma_start3A_1214 : memref<128xi32, #tpu.memory_space<hbm>>) target(%dma_start3A_1212 : memref<128xi32, #tpu.memory_space<vmem>>) target_semaphore(%arg7 : memref<!tpu.dma_semaphore, #tpu.memory_space<semaphore_mem>>)
      } else {
      }
      %add3A_730 = arith.constant 3 : i32
      %add3A_731 = arith.addi %add3A_330, %add3A_730 : i32
      %add3A_732 = arith.addi %mul3A_2, %add3A_731 : i32
      %jit3A_733 = arith.constant 128 : i32
      %div3A_734 = arith.divsi %add3A_732, %jit3A_733 : i32
      %sign3A_735 = arith.constant 0 : i32
      %sign3A_736 = arith.cmpi sgt, %add3A_732, %sign3A_735 : i32
      %sign3A_737 = arith.extui %sign3A_736 : i1 to i32
      %sign3A_738 = arith.constant 0 : i32
      %sign3A_739 = arith.cmpi slt, %add3A_732, %sign3A_738 : i32
      %sign3A_740 = arith.extui %sign3A_739 : i1 to i32
      %sign3A_741 = arith.subi %sign3A_737, %sign3A_740 : i32
      %sign3A_742 = arith.constant 0 : i32
      %sign3A_743 = arith.cmpi sgt, %jit3A_733, %sign3A_742 : i32
      %sign3A_744 = arith.extui %sign3A_743 : i1 to i32
      %sign3A_745 = arith.constant 0 : i32
      %sign3A_746 = arith.cmpi slt, %jit3A_733, %sign3A_745 : i32
      %sign3A_747 = arith.extui %sign3A_746 : i1 to i32
      %sign3A_748 = arith.subi %sign3A_744, %sign3A_747 : i32
      %ne3A_749 = arith.cmpi ne, %sign3A_741, %sign3A_748 : i32
      %rem3A_750 = arith.remsi %add3A_732, %jit3A_733 : i32
      %ne3A_751 = arith.constant 0 : i32
      %ne3A_752 = arith.cmpi ne, %rem3A_750, %ne3A_751 : i32
      %and3A_753 = arith.andi %ne3A_749, %ne3A_752 : i1
      %sub3A_754 = arith.constant 1 : i32
      %sub3A_755 = arith.subi %div3A_734, %sub3A_754 : i32
      %select_n3A_756 = arith.select %and3A_753, %sub3A_755, %div3A_734 : i32
      %rem3A_757 = arith.constant 128 : i32
      %rem3A_758 = arith.remsi %add3A_732, %rem3A_757 : i32
      %dma_wait3A_759 = arith.constant 3 : i32
      %dma_wait3A_760 = arith.constant 3 : i32
      %dma_wait3A_761 = arith.constant 0 : i32
      %dma_wait3A_762 = arith.constant 0 : i32
      %dma_wait3A_763 = tpu.memref_slice %arg6[%dma_wait3A_760, %dma_wait3A_761, %dma_wait3A_762] : memref<8x128x32xf32, #tpu.memory_space<vmem>> -> memref<1x128x32xf32, #tpu.memory_space<vmem>>
      %dma_wait3A_764 = tpu.memref_squeeze %dma_wait3A_763 : memref<1x128x32xf32, #tpu.memory_space<vmem>> -> memref<128x32xf32, #tpu.memory_space<vmem>>
      %dma_wait3A_765 = arith.constant 0 : i32
      %dma_wait3A_766 = tpu.memref_slice %arg5[%dma_wait3A_759, %dma_wait3A_765] : memref<8x128xi32, #tpu.memory_space<vmem>> -> memref<1x128xi32, #tpu.memory_space<vmem>>
      %dma_wait3A_767 = tpu.memref_squeeze %dma_wait3A_766 : memref<1x128xi32, #tpu.memory_space<vmem>> -> memref<128xi32, #tpu.memory_space<vmem>>
      %dma_wait3A_768 = arith.constant 0 : i32
      %dma_wait3A_769 = arith.constant 0 : i32
      %dma_wait3A_770 = tpu.memref_slice %arg2[%dma_wait3A_768, %dma_wait3A_769] : memref<1000000x32xf32, #tpu.memory_space<hbm>> -> memref<1000000x32xf32, #tpu.memory_space<hbm>>
      tpu.wait_indirect_dma semaphore(%arg8 : memref<!tpu.dma_semaphore, #tpu.memory_space<semaphore_mem>>) src(%dma_wait3A_770 : memref<1000000x32xf32, #tpu.memory_space<hbm>>) dst(%dma_wait3A_764 : memref<128x32xf32, #tpu.memory_space<vmem>>)
      %mul3A_771 = arith.constant 128 : i32
      %mul3A_772 = arith.muli %rem3A_758, %mul3A_771 : i32
      %dma_start3A_773 = arith.constant 3 : i32
      %dma_start3A_774 = arith.constant 0 : i32
      %dma_start3A_775 = arith.constant 0 : i32
      %dma_start3A_776 = tpu.memref_slice %arg6[%dma_start3A_773, %dma_start3A_774, %dma_start3A_775] : memref<8x128x32xf32, #tpu.memory_space<vmem>> -> memref<1x128x32xf32, #tpu.memory_space<vmem>>
      %dma_start3A_777 = tpu.memref_squeeze %dma_start3A_776 : memref<1x128x32xf32, #tpu.memory_space<vmem>> -> memref<128x32xf32, #tpu.memory_space<vmem>>
      %dma_start3A_778 = arith.constant 0 : i32
      %dma_start3A_779 = tpu.memref_slice %arg4[%select_n3A_756, %mul3A_772, %dma_start3A_778] : memref<50x16384x32xf32, #tpu.memory_space<hbm>> -> memref<1x128x32xf32, #tpu.memory_space<hbm>>
      %dma_start3A_780 = tpu.memref_squeeze %dma_start3A_779 : memref<1x128x32xf32, #tpu.memory_space<hbm>> -> memref<128x32xf32, #tpu.memory_space<hbm>>
      %dma_start3A_781 = arith.constant 0 : i32
      %dma_start3A_782 = tpu.memref_slice %arg4[%select_n3A_756, %mul3A_772, %dma_start3A_781] : memref<50x16384x32xf32, #tpu.memory_space<hbm>> -> memref<1x128x32xf32, #tpu.memory_space<hbm>>
      %dma_start3A_783 = tpu.memref_squeeze %dma_start3A_782 : memref<1x128x32xf32, #tpu.memory_space<hbm>> -> memref<128x32xf32, #tpu.memory_space<hbm>>
      %dma_start3A_784 = arith.constant 0 : i32
      %dma_start3A_785 = arith.constant 0 : i32
      %dma_start3A_786 = tpu.memref_slice %arg6[%dma_start3A_773, %dma_start3A_784, %dma_start3A_785] : memref<8x128x32xf32, #tpu.memory_space<vmem>> -> memref<1x128x32xf32, #tpu.memory_space<vmem>>
      %dma_start3A_787 = tpu.memref_squeeze %dma_start3A_786 : memref<1x128x32xf32, #tpu.memory_space<vmem>> -> memref<128x32xf32, #tpu.memory_space<vmem>>
      tpu.enqueue_dma source(%dma_start3A_787 : memref<128x32xf32, #tpu.memory_space<vmem>>) target(%dma_start3A_783 : memref<128x32xf32, #tpu.memory_space<hbm>>) target_semaphore(%arg9 : memref<!tpu.dma_semaphore, #tpu.memory_space<semaphore_mem>>)
      %add3A_788 = arith.constant 8 : i32
      %add3A_789 = arith.addi %add3A_731, %add3A_788 : i32
      %lt3A_790 = arith.constant 200 : i32
      %lt3A_791 = arith.cmpi slt, %add3A_789, %lt3A_790 : i32
      %convert_element_type3A_792 = arith.extui %lt3A_791 : i1 to i32
      %cond3A_793 = arith.constant 0 : i32
      %cond3A_794 = arith.cmpi ne, %convert_element_type3A_792, %cond3A_793 : i32
      scf.if %cond3A_794 {
        %add3A_1175 = arith.addi %mul3A_2, %add3A_789 : i32
        %jit3A_1176 = arith.constant 128 : i32
        %div3A_1177 = arith.divsi %add3A_1175, %jit3A_1176 : i32
        %sign3A_1178 = arith.constant 0 : i32
        %sign3A_1179 = arith.cmpi sgt, %add3A_1175, %sign3A_1178 : i32
        %sign3A_1180 = arith.extui %sign3A_1179 : i1 to i32
        %sign3A_1181 = arith.constant 0 : i32
        %sign3A_1182 = arith.cmpi slt, %add3A_1175, %sign3A_1181 : i32
        %sign3A_1183 = arith.extui %sign3A_1182 : i1 to i32
        %sign3A_1184 = arith.subi %sign3A_1180, %sign3A_1183 : i32
        %sign3A_1185 = arith.constant 0 : i32
        %sign3A_1186 = arith.cmpi sgt, %jit3A_1176, %sign3A_1185 : i32
        %sign3A_1187 = arith.extui %sign3A_1186 : i1 to i32
        %sign3A_1188 = arith.constant 0 : i32
        %sign3A_1189 = arith.cmpi slt, %jit3A_1176, %sign3A_1188 : i32
        %sign3A_1190 = arith.extui %sign3A_1189 : i1 to i32
        %sign3A_1191 = arith.subi %sign3A_1187, %sign3A_1190 : i32
        %ne3A_1192 = arith.cmpi ne, %sign3A_1184, %sign3A_1191 : i32
        %rem3A_1193 = arith.remsi %add3A_1175, %jit3A_1176 : i32
        %ne3A_1194 = arith.constant 0 : i32
        %ne3A_1195 = arith.cmpi ne, %rem3A_1193, %ne3A_1194 : i32
        %and3A_1196 = arith.andi %ne3A_1192, %ne3A_1195 : i1
        %sub3A_1197 = arith.constant 1 : i32
        %sub3A_1198 = arith.subi %div3A_1177, %sub3A_1197 : i32
        %select_n3A_1199 = arith.select %and3A_1196, %sub3A_1198, %div3A_1177 : i32
        %rem3A_1200 = arith.constant 128 : i32
        %rem3A_1201 = arith.remsi %add3A_1175, %rem3A_1200 : i32
        %mul3A_1202 = arith.constant 128 : i32
        %mul3A_1203 = arith.muli %rem3A_1201, %mul3A_1202 : i32
        %dma_start3A_1204 = arith.constant 3 : i32
        %dma_start3A_1205 = arith.constant 0 : i32
        %dma_start3A_1206 = tpu.memref_slice %arg5[%dma_start3A_1204, %dma_start3A_1205] : memref<8x128xi32, #tpu.memory_space<vmem>> -> memref<1x128xi32, #tpu.memory_space<vmem>>
        %dma_start3A_1207 = tpu.memref_squeeze %dma_start3A_1206 : memref<1x128xi32, #tpu.memory_space<vmem>> -> memref<128xi32, #tpu.memory_space<vmem>>
        %dma_start3A_1208 = tpu.memref_slice %arg3[%select_n3A_1199, %mul3A_1203] : memref<50x16384xi32, #tpu.memory_space<hbm>> -> memref<1x128xi32, #tpu.memory_space<hbm>>
        %dma_start3A_1209 = tpu.memref_squeeze %dma_start3A_1208 : memref<1x128xi32, #tpu.memory_space<hbm>> -> memref<128xi32, #tpu.memory_space<hbm>>
        %dma_start3A_1210 = arith.constant 0 : i32
        %dma_start3A_1211 = tpu.memref_slice %arg5[%dma_start3A_1204, %dma_start3A_1210] : memref<8x128xi32, #tpu.memory_space<vmem>> -> memref<1x128xi32, #tpu.memory_space<vmem>>
        %dma_start3A_1212 = tpu.memref_squeeze %dma_start3A_1211 : memref<1x128xi32, #tpu.memory_space<vmem>> -> memref<128xi32, #tpu.memory_space<vmem>>
        %dma_start3A_1213 = tpu.memref_slice %arg3[%select_n3A_1199, %mul3A_1203] : memref<50x16384xi32, #tpu.memory_space<hbm>> -> memref<1x128xi32, #tpu.memory_space<hbm>>
        %dma_start3A_1214 = tpu.memref_squeeze %dma_start3A_1213 : memref<1x128xi32, #tpu.memory_space<hbm>> -> memref<128xi32, #tpu.memory_space<hbm>>
        tpu.enqueue_dma source(%dma_start3A_1214 : memref<128xi32, #tpu.memory_space<hbm>>) target(%dma_start3A_1212 : memref<128xi32, #tpu.memory_space<vmem>>) target_semaphore(%arg7 : memref<!tpu.dma_semaphore, #tpu.memory_space<semaphore_mem>>)
      } else {
      }
      %add3A_795 = arith.constant 4 : i32
      %add3A_796 = arith.addi %add3A_330, %add3A_795 : i32
      %add3A_797 = arith.addi %mul3A_2, %add3A_796 : i32
      %jit3A_798 = arith.constant 128 : i32
      %div3A_799 = arith.divsi %add3A_797, %jit3A_798 : i32
      %sign3A_800 = arith.constant 0 : i32
      %sign3A_801 = arith.cmpi sgt, %add3A_797, %sign3A_800 : i32
      %sign3A_802 = arith.extui %sign3A_801 : i1 to i32
      %sign3A_803 = arith.constant 0 : i32
      %sign3A_804 = arith.cmpi slt, %add3A_797, %sign3A_803 : i32
      %sign3A_805 = arith.extui %sign3A_804 : i1 to i32
      %sign3A_806 = arith.subi %sign3A_802, %sign3A_805 : i32
      %sign3A_807 = arith.constant 0 : i32
      %sign3A_808 = arith.cmpi sgt, %jit3A_798, %sign3A_807 : i32
      %sign3A_809 = arith.extui %sign3A_808 : i1 to i32
      %sign3A_810 = arith.constant 0 : i32
      %sign3A_811 = arith.cmpi slt, %jit3A_798, %sign3A_810 : i32
      %sign3A_812 = arith.extui %sign3A_811 : i1 to i32
      %sign3A_813 = arith.subi %sign3A_809, %sign3A_812 : i32
      %ne3A_814 = arith.cmpi ne, %sign3A_806, %sign3A_813 : i32
      %rem3A_815 = arith.remsi %add3A_797, %jit3A_798 : i32
      %ne3A_816 = arith.constant 0 : i32
      %ne3A_817 = arith.cmpi ne, %rem3A_815, %ne3A_816 : i32
      %and3A_818 = arith.andi %ne3A_814, %ne3A_817 : i1
      %sub3A_819 = arith.constant 1 : i32
      %sub3A_820 = arith.subi %div3A_799, %sub3A_819 : i32
      %select_n3A_821 = arith.select %and3A_818, %sub3A_820, %div3A_799 : i32
      %rem3A_822 = arith.constant 128 : i32
      %rem3A_823 = arith.remsi %add3A_797, %rem3A_822 : i32
      %dma_wait3A_824 = arith.constant 4 : i32
      %dma_wait3A_825 = arith.constant 4 : i32
      %dma_wait3A_826 = arith.constant 0 : i32
      %dma_wait3A_827 = arith.constant 0 : i32
      %dma_wait3A_828 = tpu.memref_slice %arg6[%dma_wait3A_825, %dma_wait3A_826, %dma_wait3A_827] : memref<8x128x32xf32, #tpu.memory_space<vmem>> -> memref<1x128x32xf32, #tpu.memory_space<vmem>>
      %dma_wait3A_829 = tpu.memref_squeeze %dma_wait3A_828 : memref<1x128x32xf32, #tpu.memory_space<vmem>> -> memref<128x32xf32, #tpu.memory_space<vmem>>
      %dma_wait3A_830 = arith.constant 0 : i32
      %dma_wait3A_831 = tpu.memref_slice %arg5[%dma_wait3A_824, %dma_wait3A_830] : memref<8x128xi32, #tpu.memory_space<vmem>> -> memref<1x128xi32, #tpu.memory_space<vmem>>
      %dma_wait3A_832 = tpu.memref_squeeze %dma_wait3A_831 : memref<1x128xi32, #tpu.memory_space<vmem>> -> memref<128xi32, #tpu.memory_space<vmem>>
      %dma_wait3A_833 = arith.constant 0 : i32
      %dma_wait3A_834 = arith.constant 0 : i32
      %dma_wait3A_835 = tpu.memref_slice %arg2[%dma_wait3A_833, %dma_wait3A_834] : memref<1000000x32xf32, #tpu.memory_space<hbm>> -> memref<1000000x32xf32, #tpu.memory_space<hbm>>
      tpu.wait_indirect_dma semaphore(%arg8 : memref<!tpu.dma_semaphore, #tpu.memory_space<semaphore_mem>>) src(%dma_wait3A_835 : memref<1000000x32xf32, #tpu.memory_space<hbm>>) dst(%dma_wait3A_829 : memref<128x32xf32, #tpu.memory_space<vmem>>)
      %mul3A_836 = arith.constant 128 : i32
      %mul3A_837 = arith.muli %rem3A_823, %mul3A_836 : i32
      %dma_start3A_838 = arith.constant 4 : i32
      %dma_start3A_839 = arith.constant 0 : i32
      %dma_start3A_840 = arith.constant 0 : i32
      %dma_start3A_841 = tpu.memref_slice %arg6[%dma_start3A_838, %dma_start3A_839, %dma_start3A_840] : memref<8x128x32xf32, #tpu.memory_space<vmem>> -> memref<1x128x32xf32, #tpu.memory_space<vmem>>
      %dma_start3A_842 = tpu.memref_squeeze %dma_start3A_841 : memref<1x128x32xf32, #tpu.memory_space<vmem>> -> memref<128x32xf32, #tpu.memory_space<vmem>>
      %dma_start3A_843 = arith.constant 0 : i32
      %dma_start3A_844 = tpu.memref_slice %arg4[%select_n3A_821, %mul3A_837, %dma_start3A_843] : memref<50x16384x32xf32, #tpu.memory_space<hbm>> -> memref<1x128x32xf32, #tpu.memory_space<hbm>>
      %dma_start3A_845 = tpu.memref_squeeze %dma_start3A_844 : memref<1x128x32xf32, #tpu.memory_space<hbm>> -> memref<128x32xf32, #tpu.memory_space<hbm>>
      %dma_start3A_846 = arith.constant 0 : i32
      %dma_start3A_847 = tpu.memref_slice %arg4[%select_n3A_821, %mul3A_837, %dma_start3A_846] : memref<50x16384x32xf32, #tpu.memory_space<hbm>> -> memref<1x128x32xf32, #tpu.memory_space<hbm>>
      %dma_start3A_848 = tpu.memref_squeeze %dma_start3A_847 : memref<1x128x32xf32, #tpu.memory_space<hbm>> -> memref<128x32xf32, #tpu.memory_space<hbm>>
      %dma_start3A_849 = arith.constant 0 : i32
      %dma_start3A_850 = arith.constant 0 : i32
      %dma_start3A_851 = tpu.memref_slice %arg6[%dma_start3A_838, %dma_start3A_849, %dma_start3A_850] : memref<8x128x32xf32, #tpu.memory_space<vmem>> -> memref<1x128x32xf32, #tpu.memory_space<vmem>>
      %dma_start3A_852 = tpu.memref_squeeze %dma_start3A_851 : memref<1x128x32xf32, #tpu.memory_space<vmem>> -> memref<128x32xf32, #tpu.memory_space<vmem>>
      tpu.enqueue_dma source(%dma_start3A_852 : memref<128x32xf32, #tpu.memory_space<vmem>>) target(%dma_start3A_848 : memref<128x32xf32, #tpu.memory_space<hbm>>) target_semaphore(%arg9 : memref<!tpu.dma_semaphore, #tpu.memory_space<semaphore_mem>>)
      %add3A_853 = arith.constant 8 : i32
      %add3A_854 = arith.addi %add3A_796, %add3A_853 : i32
      %lt3A_855 = arith.constant 200 : i32
      %lt3A_856 = arith.cmpi slt, %add3A_854, %lt3A_855 : i32
      %convert_element_type3A_857 = arith.extui %lt3A_856 : i1 to i32
      %cond3A_858 = arith.constant 0 : i32
      %cond3A_859 = arith.cmpi ne, %convert_element_type3A_857, %cond3A_858 : i32
      scf.if %cond3A_859 {
        %add3A_1175 = arith.addi %mul3A_2, %add3A_854 : i32
        %jit3A_1176 = arith.constant 128 : i32
        %div3A_1177 = arith.divsi %add3A_1175, %jit3A_1176 : i32
        %sign3A_1178 = arith.constant 0 : i32
        %sign3A_1179 = arith.cmpi sgt, %add3A_1175, %sign3A_1178 : i32
        %sign3A_1180 = arith.extui %sign3A_1179 : i1 to i32
        %sign3A_1181 = arith.constant 0 : i32
        %sign3A_1182 = arith.cmpi slt, %add3A_1175, %sign3A_1181 : i32
        %sign3A_1183 = arith.extui %sign3A_1182 : i1 to i32
        %sign3A_1184 = arith.subi %sign3A_1180, %sign3A_1183 : i32
        %sign3A_1185 = arith.constant 0 : i32
        %sign3A_1186 = arith.cmpi sgt, %jit3A_1176, %sign3A_1185 : i32
        %sign3A_1187 = arith.extui %sign3A_1186 : i1 to i32
        %sign3A_1188 = arith.constant 0 : i32
        %sign3A_1189 = arith.cmpi slt, %jit3A_1176, %sign3A_1188 : i32
        %sign3A_1190 = arith.extui %sign3A_1189 : i1 to i32
        %sign3A_1191 = arith.subi %sign3A_1187, %sign3A_1190 : i32
        %ne3A_1192 = arith.cmpi ne, %sign3A_1184, %sign3A_1191 : i32
        %rem3A_1193 = arith.remsi %add3A_1175, %jit3A_1176 : i32
        %ne3A_1194 = arith.constant 0 : i32
        %ne3A_1195 = arith.cmpi ne, %rem3A_1193, %ne3A_1194 : i32
        %and3A_1196 = arith.andi %ne3A_1192, %ne3A_1195 : i1
        %sub3A_1197 = arith.constant 1 : i32
        %sub3A_1198 = arith.subi %div3A_1177, %sub3A_1197 : i32
        %select_n3A_1199 = arith.select %and3A_1196, %sub3A_1198, %div3A_1177 : i32
        %rem3A_1200 = arith.constant 128 : i32
        %rem3A_1201 = arith.remsi %add3A_1175, %rem3A_1200 : i32
        %mul3A_1202 = arith.constant 128 : i32
        %mul3A_1203 = arith.muli %rem3A_1201, %mul3A_1202 : i32
        %dma_start3A_1204 = arith.constant 4 : i32
        %dma_start3A_1205 = arith.constant 0 : i32
        %dma_start3A_1206 = tpu.memref_slice %arg5[%dma_start3A_1204, %dma_start3A_1205] : memref<8x128xi32, #tpu.memory_space<vmem>> -> memref<1x128xi32, #tpu.memory_space<vmem>>
        %dma_start3A_1207 = tpu.memref_squeeze %dma_start3A_1206 : memref<1x128xi32, #tpu.memory_space<vmem>> -> memref<128xi32, #tpu.memory_space<vmem>>
        %dma_start3A_1208 = tpu.memref_slice %arg3[%select_n3A_1199, %mul3A_1203] : memref<50x16384xi32, #tpu.memory_space<hbm>> -> memref<1x128xi32, #tpu.memory_space<hbm>>
        %dma_start3A_1209 = tpu.memref_squeeze %dma_start3A_1208 : memref<1x128xi32, #tpu.memory_space<hbm>> -> memref<128xi32, #tpu.memory_space<hbm>>
        %dma_start3A_1210 = arith.constant 0 : i32
        %dma_start3A_1211 = tpu.memref_slice %arg5[%dma_start3A_1204, %dma_start3A_1210] : memref<8x128xi32, #tpu.memory_space<vmem>> -> memref<1x128xi32, #tpu.memory_space<vmem>>
        %dma_start3A_1212 = tpu.memref_squeeze %dma_start3A_1211 : memref<1x128xi32, #tpu.memory_space<vmem>> -> memref<128xi32, #tpu.memory_space<vmem>>
        %dma_start3A_1213 = tpu.memref_slice %arg3[%select_n3A_1199, %mul3A_1203] : memref<50x16384xi32, #tpu.memory_space<hbm>> -> memref<1x128xi32, #tpu.memory_space<hbm>>
        %dma_start3A_1214 = tpu.memref_squeeze %dma_start3A_1213 : memref<1x128xi32, #tpu.memory_space<hbm>> -> memref<128xi32, #tpu.memory_space<hbm>>
        tpu.enqueue_dma source(%dma_start3A_1214 : memref<128xi32, #tpu.memory_space<hbm>>) target(%dma_start3A_1212 : memref<128xi32, #tpu.memory_space<vmem>>) target_semaphore(%arg7 : memref<!tpu.dma_semaphore, #tpu.memory_space<semaphore_mem>>)
      } else {
      }
      %add3A_860 = arith.constant 5 : i32
      %add3A_861 = arith.addi %add3A_330, %add3A_860 : i32
      %add3A_862 = arith.addi %mul3A_2, %add3A_861 : i32
      %jit3A_863 = arith.constant 128 : i32
      %div3A_864 = arith.divsi %add3A_862, %jit3A_863 : i32
      %sign3A_865 = arith.constant 0 : i32
      %sign3A_866 = arith.cmpi sgt, %add3A_862, %sign3A_865 : i32
      %sign3A_867 = arith.extui %sign3A_866 : i1 to i32
      %sign3A_868 = arith.constant 0 : i32
      %sign3A_869 = arith.cmpi slt, %add3A_862, %sign3A_868 : i32
      %sign3A_870 = arith.extui %sign3A_869 : i1 to i32
      %sign3A_871 = arith.subi %sign3A_867, %sign3A_870 : i32
      %sign3A_872 = arith.constant 0 : i32
      %sign3A_873 = arith.cmpi sgt, %jit3A_863, %sign3A_872 : i32
      %sign3A_874 = arith.extui %sign3A_873 : i1 to i32
      %sign3A_875 = arith.constant 0 : i32
      %sign3A_876 = arith.cmpi slt, %jit3A_863, %sign3A_875 : i32
      %sign3A_877 = arith.extui %sign3A_876 : i1 to i32
      %sign3A_878 = arith.subi %sign3A_874, %sign3A_877 : i32
      %ne3A_879 = arith.cmpi ne, %sign3A_871, %sign3A_878 : i32
      %rem3A_880 = arith.remsi %add3A_862, %jit3A_863 : i32
      %ne3A_881 = arith.constant 0 : i32
      %ne3A_882 = arith.cmpi ne, %rem3A_880, %ne3A_881 : i32
      %and3A_883 = arith.andi %ne3A_879, %ne3A_882 : i1
      %sub3A_884 = arith.constant 1 : i32
      %sub3A_885 = arith.subi %div3A_864, %sub3A_884 : i32
      %select_n3A_886 = arith.select %and3A_883, %sub3A_885, %div3A_864 : i32
      %rem3A_887 = arith.constant 128 : i32
      %rem3A_888 = arith.remsi %add3A_862, %rem3A_887 : i32
      %dma_wait3A_889 = arith.constant 5 : i32
      %dma_wait3A_890 = arith.constant 5 : i32
      %dma_wait3A_891 = arith.constant 0 : i32
      %dma_wait3A_892 = arith.constant 0 : i32
      %dma_wait3A_893 = tpu.memref_slice %arg6[%dma_wait3A_890, %dma_wait3A_891, %dma_wait3A_892] : memref<8x128x32xf32, #tpu.memory_space<vmem>> -> memref<1x128x32xf32, #tpu.memory_space<vmem>>
      %dma_wait3A_894 = tpu.memref_squeeze %dma_wait3A_893 : memref<1x128x32xf32, #tpu.memory_space<vmem>> -> memref<128x32xf32, #tpu.memory_space<vmem>>
      %dma_wait3A_895 = arith.constant 0 : i32
      %dma_wait3A_896 = tpu.memref_slice %arg5[%dma_wait3A_889, %dma_wait3A_895] : memref<8x128xi32, #tpu.memory_space<vmem>> -> memref<1x128xi32, #tpu.memory_space<vmem>>
      %dma_wait3A_897 = tpu.memref_squeeze %dma_wait3A_896 : memref<1x128xi32, #tpu.memory_space<vmem>> -> memref<128xi32, #tpu.memory_space<vmem>>
      %dma_wait3A_898 = arith.constant 0 : i32
      %dma_wait3A_899 = arith.constant 0 : i32
      %dma_wait3A_900 = tpu.memref_slice %arg2[%dma_wait3A_898, %dma_wait3A_899] : memref<1000000x32xf32, #tpu.memory_space<hbm>> -> memref<1000000x32xf32, #tpu.memory_space<hbm>>
      tpu.wait_indirect_dma semaphore(%arg8 : memref<!tpu.dma_semaphore, #tpu.memory_space<semaphore_mem>>) src(%dma_wait3A_900 : memref<1000000x32xf32, #tpu.memory_space<hbm>>) dst(%dma_wait3A_894 : memref<128x32xf32, #tpu.memory_space<vmem>>)
      %mul3A_901 = arith.constant 128 : i32
      %mul3A_902 = arith.muli %rem3A_888, %mul3A_901 : i32
      %dma_start3A_903 = arith.constant 5 : i32
      %dma_start3A_904 = arith.constant 0 : i32
      %dma_start3A_905 = arith.constant 0 : i32
      %dma_start3A_906 = tpu.memref_slice %arg6[%dma_start3A_903, %dma_start3A_904, %dma_start3A_905] : memref<8x128x32xf32, #tpu.memory_space<vmem>> -> memref<1x128x32xf32, #tpu.memory_space<vmem>>
      %dma_start3A_907 = tpu.memref_squeeze %dma_start3A_906 : memref<1x128x32xf32, #tpu.memory_space<vmem>> -> memref<128x32xf32, #tpu.memory_space<vmem>>
      %dma_start3A_908 = arith.constant 0 : i32
      %dma_start3A_909 = tpu.memref_slice %arg4[%select_n3A_886, %mul3A_902, %dma_start3A_908] : memref<50x16384x32xf32, #tpu.memory_space<hbm>> -> memref<1x128x32xf32, #tpu.memory_space<hbm>>
      %dma_start3A_910 = tpu.memref_squeeze %dma_start3A_909 : memref<1x128x32xf32, #tpu.memory_space<hbm>> -> memref<128x32xf32, #tpu.memory_space<hbm>>
      %dma_start3A_911 = arith.constant 0 : i32
      %dma_start3A_912 = tpu.memref_slice %arg4[%select_n3A_886, %mul3A_902, %dma_start3A_911] : memref<50x16384x32xf32, #tpu.memory_space<hbm>> -> memref<1x128x32xf32, #tpu.memory_space<hbm>>
      %dma_start3A_913 = tpu.memref_squeeze %dma_start3A_912 : memref<1x128x32xf32, #tpu.memory_space<hbm>> -> memref<128x32xf32, #tpu.memory_space<hbm>>
      %dma_start3A_914 = arith.constant 0 : i32
      %dma_start3A_915 = arith.constant 0 : i32
      %dma_start3A_916 = tpu.memref_slice %arg6[%dma_start3A_903, %dma_start3A_914, %dma_start3A_915] : memref<8x128x32xf32, #tpu.memory_space<vmem>> -> memref<1x128x32xf32, #tpu.memory_space<vmem>>
      %dma_start3A_917 = tpu.memref_squeeze %dma_start3A_916 : memref<1x128x32xf32, #tpu.memory_space<vmem>> -> memref<128x32xf32, #tpu.memory_space<vmem>>
      tpu.enqueue_dma source(%dma_start3A_917 : memref<128x32xf32, #tpu.memory_space<vmem>>) target(%dma_start3A_913 : memref<128x32xf32, #tpu.memory_space<hbm>>) target_semaphore(%arg9 : memref<!tpu.dma_semaphore, #tpu.memory_space<semaphore_mem>>)
      %add3A_918 = arith.constant 8 : i32
      %add3A_919 = arith.addi %add3A_861, %add3A_918 : i32
      %lt3A_920 = arith.constant 200 : i32
      %lt3A_921 = arith.cmpi slt, %add3A_919, %lt3A_920 : i32
      %convert_element_type3A_922 = arith.extui %lt3A_921 : i1 to i32
      %cond3A_923 = arith.constant 0 : i32
      %cond3A_924 = arith.cmpi ne, %convert_element_type3A_922, %cond3A_923 : i32
      scf.if %cond3A_924 {
        %add3A_1175 = arith.addi %mul3A_2, %add3A_919 : i32
        %jit3A_1176 = arith.constant 128 : i32
        %div3A_1177 = arith.divsi %add3A_1175, %jit3A_1176 : i32
        %sign3A_1178 = arith.constant 0 : i32
        %sign3A_1179 = arith.cmpi sgt, %add3A_1175, %sign3A_1178 : i32
        %sign3A_1180 = arith.extui %sign3A_1179 : i1 to i32
        %sign3A_1181 = arith.constant 0 : i32
        %sign3A_1182 = arith.cmpi slt, %add3A_1175, %sign3A_1181 : i32
        %sign3A_1183 = arith.extui %sign3A_1182 : i1 to i32
        %sign3A_1184 = arith.subi %sign3A_1180, %sign3A_1183 : i32
        %sign3A_1185 = arith.constant 0 : i32
        %sign3A_1186 = arith.cmpi sgt, %jit3A_1176, %sign3A_1185 : i32
        %sign3A_1187 = arith.extui %sign3A_1186 : i1 to i32
        %sign3A_1188 = arith.constant 0 : i32
        %sign3A_1189 = arith.cmpi slt, %jit3A_1176, %sign3A_1188 : i32
        %sign3A_1190 = arith.extui %sign3A_1189 : i1 to i32
        %sign3A_1191 = arith.subi %sign3A_1187, %sign3A_1190 : i32
        %ne3A_1192 = arith.cmpi ne, %sign3A_1184, %sign3A_1191 : i32
        %rem3A_1193 = arith.remsi %add3A_1175, %jit3A_1176 : i32
        %ne3A_1194 = arith.constant 0 : i32
        %ne3A_1195 = arith.cmpi ne, %rem3A_1193, %ne3A_1194 : i32
        %and3A_1196 = arith.andi %ne3A_1192, %ne3A_1195 : i1
        %sub3A_1197 = arith.constant 1 : i32
        %sub3A_1198 = arith.subi %div3A_1177, %sub3A_1197 : i32
        %select_n3A_1199 = arith.select %and3A_1196, %sub3A_1198, %div3A_1177 : i32
        %rem3A_1200 = arith.constant 128 : i32
        %rem3A_1201 = arith.remsi %add3A_1175, %rem3A_1200 : i32
        %mul3A_1202 = arith.constant 128 : i32
        %mul3A_1203 = arith.muli %rem3A_1201, %mul3A_1202 : i32
        %dma_start3A_1204 = arith.constant 5 : i32
        %dma_start3A_1205 = arith.constant 0 : i32
        %dma_start3A_1206 = tpu.memref_slice %arg5[%dma_start3A_1204, %dma_start3A_1205] : memref<8x128xi32, #tpu.memory_space<vmem>> -> memref<1x128xi32, #tpu.memory_space<vmem>>
        %dma_start3A_1207 = tpu.memref_squeeze %dma_start3A_1206 : memref<1x128xi32, #tpu.memory_space<vmem>> -> memref<128xi32, #tpu.memory_space<vmem>>
        %dma_start3A_1208 = tpu.memref_slice %arg3[%select_n3A_1199, %mul3A_1203] : memref<50x16384xi32, #tpu.memory_space<hbm>> -> memref<1x128xi32, #tpu.memory_space<hbm>>
        %dma_start3A_1209 = tpu.memref_squeeze %dma_start3A_1208 : memref<1x128xi32, #tpu.memory_space<hbm>> -> memref<128xi32, #tpu.memory_space<hbm>>
        %dma_start3A_1210 = arith.constant 0 : i32
        %dma_start3A_1211 = tpu.memref_slice %arg5[%dma_start3A_1204, %dma_start3A_1210] : memref<8x128xi32, #tpu.memory_space<vmem>> -> memref<1x128xi32, #tpu.memory_space<vmem>>
        %dma_start3A_1212 = tpu.memref_squeeze %dma_start3A_1211 : memref<1x128xi32, #tpu.memory_space<vmem>> -> memref<128xi32, #tpu.memory_space<vmem>>
        %dma_start3A_1213 = tpu.memref_slice %arg3[%select_n3A_1199, %mul3A_1203] : memref<50x16384xi32, #tpu.memory_space<hbm>> -> memref<1x128xi32, #tpu.memory_space<hbm>>
        %dma_start3A_1214 = tpu.memref_squeeze %dma_start3A_1213 : memref<1x128xi32, #tpu.memory_space<hbm>> -> memref<128xi32, #tpu.memory_space<hbm>>
        tpu.enqueue_dma source(%dma_start3A_1214 : memref<128xi32, #tpu.memory_space<hbm>>) target(%dma_start3A_1212 : memref<128xi32, #tpu.memory_space<vmem>>) target_semaphore(%arg7 : memref<!tpu.dma_semaphore, #tpu.memory_space<semaphore_mem>>)
      } else {
      }
      %add3A_925 = arith.constant 6 : i32
      %add3A_926 = arith.addi %add3A_330, %add3A_925 : i32
      %add3A_927 = arith.addi %mul3A_2, %add3A_926 : i32
      %jit3A_928 = arith.constant 128 : i32
      %div3A_929 = arith.divsi %add3A_927, %jit3A_928 : i32
      %sign3A_930 = arith.constant 0 : i32
      %sign3A_931 = arith.cmpi sgt, %add3A_927, %sign3A_930 : i32
      %sign3A_932 = arith.extui %sign3A_931 : i1 to i32
      %sign3A_933 = arith.constant 0 : i32
      %sign3A_934 = arith.cmpi slt, %add3A_927, %sign3A_933 : i32
      %sign3A_935 = arith.extui %sign3A_934 : i1 to i32
      %sign3A_936 = arith.subi %sign3A_932, %sign3A_935 : i32
      %sign3A_937 = arith.constant 0 : i32
      %sign3A_938 = arith.cmpi sgt, %jit3A_928, %sign3A_937 : i32
      %sign3A_939 = arith.extui %sign3A_938 : i1 to i32
      %sign3A_940 = arith.constant 0 : i32
      %sign3A_941 = arith.cmpi slt, %jit3A_928, %sign3A_940 : i32
      %sign3A_942 = arith.extui %sign3A_941 : i1 to i32
      %sign3A_943 = arith.subi %sign3A_939, %sign3A_942 : i32
      %ne3A_944 = arith.cmpi ne, %sign3A_936, %sign3A_943 : i32
      %rem3A_945 = arith.remsi %add3A_927, %jit3A_928 : i32
      %ne3A_946 = arith.constant 0 : i32
      %ne3A_947 = arith.cmpi ne, %rem3A_945, %ne3A_946 : i32
      %and3A_948 = arith.andi %ne3A_944, %ne3A_947 : i1
      %sub3A_949 = arith.constant 1 : i32
      %sub3A_950 = arith.subi %div3A_929, %sub3A_949 : i32
      %select_n3A_951 = arith.select %and3A_948, %sub3A_950, %div3A_929 : i32
      %rem3A_952 = arith.constant 128 : i32
      %rem3A_953 = arith.remsi %add3A_927, %rem3A_952 : i32
      %dma_wait3A_954 = arith.constant 6 : i32
      %dma_wait3A_955 = arith.constant 6 : i32
      %dma_wait3A_956 = arith.constant 0 : i32
      %dma_wait3A_957 = arith.constant 0 : i32
      %dma_wait3A_958 = tpu.memref_slice %arg6[%dma_wait3A_955, %dma_wait3A_956, %dma_wait3A_957] : memref<8x128x32xf32, #tpu.memory_space<vmem>> -> memref<1x128x32xf32, #tpu.memory_space<vmem>>
      %dma_wait3A_959 = tpu.memref_squeeze %dma_wait3A_958 : memref<1x128x32xf32, #tpu.memory_space<vmem>> -> memref<128x32xf32, #tpu.memory_space<vmem>>
      %dma_wait3A_960 = arith.constant 0 : i32
      %dma_wait3A_961 = tpu.memref_slice %arg5[%dma_wait3A_954, %dma_wait3A_960] : memref<8x128xi32, #tpu.memory_space<vmem>> -> memref<1x128xi32, #tpu.memory_space<vmem>>
      %dma_wait3A_962 = tpu.memref_squeeze %dma_wait3A_961 : memref<1x128xi32, #tpu.memory_space<vmem>> -> memref<128xi32, #tpu.memory_space<vmem>>
      %dma_wait3A_963 = arith.constant 0 : i32
      %dma_wait3A_964 = arith.constant 0 : i32
      %dma_wait3A_965 = tpu.memref_slice %arg2[%dma_wait3A_963, %dma_wait3A_964] : memref<1000000x32xf32, #tpu.memory_space<hbm>> -> memref<1000000x32xf32, #tpu.memory_space<hbm>>
      tpu.wait_indirect_dma semaphore(%arg8 : memref<!tpu.dma_semaphore, #tpu.memory_space<semaphore_mem>>) src(%dma_wait3A_965 : memref<1000000x32xf32, #tpu.memory_space<hbm>>) dst(%dma_wait3A_959 : memref<128x32xf32, #tpu.memory_space<vmem>>)
      %mul3A_966 = arith.constant 128 : i32
      %mul3A_967 = arith.muli %rem3A_953, %mul3A_966 : i32
      %dma_start3A_968 = arith.constant 6 : i32
      %dma_start3A_969 = arith.constant 0 : i32
      %dma_start3A_970 = arith.constant 0 : i32
      %dma_start3A_971 = tpu.memref_slice %arg6[%dma_start3A_968, %dma_start3A_969, %dma_start3A_970] : memref<8x128x32xf32, #tpu.memory_space<vmem>> -> memref<1x128x32xf32, #tpu.memory_space<vmem>>
      %dma_start3A_972 = tpu.memref_squeeze %dma_start3A_971 : memref<1x128x32xf32, #tpu.memory_space<vmem>> -> memref<128x32xf32, #tpu.memory_space<vmem>>
      %dma_start3A_973 = arith.constant 0 : i32
      %dma_start3A_974 = tpu.memref_slice %arg4[%select_n3A_951, %mul3A_967, %dma_start3A_973] : memref<50x16384x32xf32, #tpu.memory_space<hbm>> -> memref<1x128x32xf32, #tpu.memory_space<hbm>>
      %dma_start3A_975 = tpu.memref_squeeze %dma_start3A_974 : memref<1x128x32xf32, #tpu.memory_space<hbm>> -> memref<128x32xf32, #tpu.memory_space<hbm>>
      %dma_start3A_976 = arith.constant 0 : i32
      %dma_start3A_977 = tpu.memref_slice %arg4[%select_n3A_951, %mul3A_967, %dma_start3A_976] : memref<50x16384x32xf32, #tpu.memory_space<hbm>> -> memref<1x128x32xf32, #tpu.memory_space<hbm>>
      %dma_start3A_978 = tpu.memref_squeeze %dma_start3A_977 : memref<1x128x32xf32, #tpu.memory_space<hbm>> -> memref<128x32xf32, #tpu.memory_space<hbm>>
      %dma_start3A_979 = arith.constant 0 : i32
      %dma_start3A_980 = arith.constant 0 : i32
      %dma_start3A_981 = tpu.memref_slice %arg6[%dma_start3A_968, %dma_start3A_979, %dma_start3A_980] : memref<8x128x32xf32, #tpu.memory_space<vmem>> -> memref<1x128x32xf32, #tpu.memory_space<vmem>>
      %dma_start3A_982 = tpu.memref_squeeze %dma_start3A_981 : memref<1x128x32xf32, #tpu.memory_space<vmem>> -> memref<128x32xf32, #tpu.memory_space<vmem>>
      tpu.enqueue_dma source(%dma_start3A_982 : memref<128x32xf32, #tpu.memory_space<vmem>>) target(%dma_start3A_978 : memref<128x32xf32, #tpu.memory_space<hbm>>) target_semaphore(%arg9 : memref<!tpu.dma_semaphore, #tpu.memory_space<semaphore_mem>>)
      %add3A_983 = arith.constant 8 : i32
      %add3A_984 = arith.addi %add3A_926, %add3A_983 : i32
      %lt3A_985 = arith.constant 200 : i32
      %lt3A_986 = arith.cmpi slt, %add3A_984, %lt3A_985 : i32
      %convert_element_type3A_987 = arith.extui %lt3A_986 : i1 to i32
      %cond3A_988 = arith.constant 0 : i32
      %cond3A_989 = arith.cmpi ne, %convert_element_type3A_987, %cond3A_988 : i32
      scf.if %cond3A_989 {
        %add3A_1175 = arith.addi %mul3A_2, %add3A_984 : i32
        %jit3A_1176 = arith.constant 128 : i32
        %div3A_1177 = arith.divsi %add3A_1175, %jit3A_1176 : i32
        %sign3A_1178 = arith.constant 0 : i32
        %sign3A_1179 = arith.cmpi sgt, %add3A_1175, %sign3A_1178 : i32
        %sign3A_1180 = arith.extui %sign3A_1179 : i1 to i32
        %sign3A_1181 = arith.constant 0 : i32
        %sign3A_1182 = arith.cmpi slt, %add3A_1175, %sign3A_1181 : i32
        %sign3A_1183 = arith.extui %sign3A_1182 : i1 to i32
        %sign3A_1184 = arith.subi %sign3A_1180, %sign3A_1183 : i32
        %sign3A_1185 = arith.constant 0 : i32
        %sign3A_1186 = arith.cmpi sgt, %jit3A_1176, %sign3A_1185 : i32
        %sign3A_1187 = arith.extui %sign3A_1186 : i1 to i32
        %sign3A_1188 = arith.constant 0 : i32
        %sign3A_1189 = arith.cmpi slt, %jit3A_1176, %sign3A_1188 : i32
        %sign3A_1190 = arith.extui %sign3A_1189 : i1 to i32
        %sign3A_1191 = arith.subi %sign3A_1187, %sign3A_1190 : i32
        %ne3A_1192 = arith.cmpi ne, %sign3A_1184, %sign3A_1191 : i32
        %rem3A_1193 = arith.remsi %add3A_1175, %jit3A_1176 : i32
        %ne3A_1194 = arith.constant 0 : i32
        %ne3A_1195 = arith.cmpi ne, %rem3A_1193, %ne3A_1194 : i32
        %and3A_1196 = arith.andi %ne3A_1192, %ne3A_1195 : i1
        %sub3A_1197 = arith.constant 1 : i32
        %sub3A_1198 = arith.subi %div3A_1177, %sub3A_1197 : i32
        %select_n3A_1199 = arith.select %and3A_1196, %sub3A_1198, %div3A_1177 : i32
        %rem3A_1200 = arith.constant 128 : i32
        %rem3A_1201 = arith.remsi %add3A_1175, %rem3A_1200 : i32
        %mul3A_1202 = arith.constant 128 : i32
        %mul3A_1203 = arith.muli %rem3A_1201, %mul3A_1202 : i32
        %dma_start3A_1204 = arith.constant 6 : i32
        %dma_start3A_1205 = arith.constant 0 : i32
        %dma_start3A_1206 = tpu.memref_slice %arg5[%dma_start3A_1204, %dma_start3A_1205] : memref<8x128xi32, #tpu.memory_space<vmem>> -> memref<1x128xi32, #tpu.memory_space<vmem>>
        %dma_start3A_1207 = tpu.memref_squeeze %dma_start3A_1206 : memref<1x128xi32, #tpu.memory_space<vmem>> -> memref<128xi32, #tpu.memory_space<vmem>>
        %dma_start3A_1208 = tpu.memref_slice %arg3[%select_n3A_1199, %mul3A_1203] : memref<50x16384xi32, #tpu.memory_space<hbm>> -> memref<1x128xi32, #tpu.memory_space<hbm>>
        %dma_start3A_1209 = tpu.memref_squeeze %dma_start3A_1208 : memref<1x128xi32, #tpu.memory_space<hbm>> -> memref<128xi32, #tpu.memory_space<hbm>>
        %dma_start3A_1210 = arith.constant 0 : i32
        %dma_start3A_1211 = tpu.memref_slice %arg5[%dma_start3A_1204, %dma_start3A_1210] : memref<8x128xi32, #tpu.memory_space<vmem>> -> memref<1x128xi32, #tpu.memory_space<vmem>>
        %dma_start3A_1212 = tpu.memref_squeeze %dma_start3A_1211 : memref<1x128xi32, #tpu.memory_space<vmem>> -> memref<128xi32, #tpu.memory_space<vmem>>
        %dma_start3A_1213 = tpu.memref_slice %arg3[%select_n3A_1199, %mul3A_1203] : memref<50x16384xi32, #tpu.memory_space<hbm>> -> memref<1x128xi32, #tpu.memory_space<hbm>>
        %dma_start3A_1214 = tpu.memref_squeeze %dma_start3A_1213 : memref<1x128xi32, #tpu.memory_space<hbm>> -> memref<128xi32, #tpu.memory_space<hbm>>
        tpu.enqueue_dma source(%dma_start3A_1214 : memref<128xi32, #tpu.memory_space<hbm>>) target(%dma_start3A_1212 : memref<128xi32, #tpu.memory_space<vmem>>) target_semaphore(%arg7 : memref<!tpu.dma_semaphore, #tpu.memory_space<semaphore_mem>>)
      } else {
      }
      %add3A_990 = arith.constant 7 : i32
      %add3A_991 = arith.addi %add3A_330, %add3A_990 : i32
      %add3A_992 = arith.addi %mul3A_2, %add3A_991 : i32
      %jit3A_993 = arith.constant 128 : i32
      %div3A_994 = arith.divsi %add3A_992, %jit3A_993 : i32
      %sign3A_995 = arith.constant 0 : i32
      %sign3A_996 = arith.cmpi sgt, %add3A_992, %sign3A_995 : i32
      %sign3A_997 = arith.extui %sign3A_996 : i1 to i32
      %sign3A_998 = arith.constant 0 : i32
      %sign3A_999 = arith.cmpi slt, %add3A_992, %sign3A_998 : i32
      %sign3A_1000 = arith.extui %sign3A_999 : i1 to i32
      %sign3A_1001 = arith.subi %sign3A_997, %sign3A_1000 : i32
      %sign3A_1002 = arith.constant 0 : i32
      %sign3A_1003 = arith.cmpi sgt, %jit3A_993, %sign3A_1002 : i32
      %sign3A_1004 = arith.extui %sign3A_1003 : i1 to i32
      %sign3A_1005 = arith.constant 0 : i32
      %sign3A_1006 = arith.cmpi slt, %jit3A_993, %sign3A_1005 : i32
      %sign3A_1007 = arith.extui %sign3A_1006 : i1 to i32
      %sign3A_1008 = arith.subi %sign3A_1004, %sign3A_1007 : i32
      %ne3A_1009 = arith.cmpi ne, %sign3A_1001, %sign3A_1008 : i32
      %rem3A_1010 = arith.remsi %add3A_992, %jit3A_993 : i32
      %ne3A_1011 = arith.constant 0 : i32
      %ne3A_1012 = arith.cmpi ne, %rem3A_1010, %ne3A_1011 : i32
      %and3A_1013 = arith.andi %ne3A_1009, %ne3A_1012 : i1
      %sub3A_1014 = arith.constant 1 : i32
      %sub3A_1015 = arith.subi %div3A_994, %sub3A_1014 : i32
      %select_n3A_1016 = arith.select %and3A_1013, %sub3A_1015, %div3A_994 : i32
      %rem3A_1017 = arith.constant 128 : i32
      %rem3A_1018 = arith.remsi %add3A_992, %rem3A_1017 : i32
      %dma_wait3A_1019 = arith.constant 7 : i32
      %dma_wait3A_1020 = arith.constant 7 : i32
      %dma_wait3A_1021 = arith.constant 0 : i32
      %dma_wait3A_1022 = arith.constant 0 : i32
      %dma_wait3A_1023 = tpu.memref_slice %arg6[%dma_wait3A_1020, %dma_wait3A_1021, %dma_wait3A_1022] : memref<8x128x32xf32, #tpu.memory_space<vmem>> -> memref<1x128x32xf32, #tpu.memory_space<vmem>>
      %dma_wait3A_1024 = tpu.memref_squeeze %dma_wait3A_1023 : memref<1x128x32xf32, #tpu.memory_space<vmem>> -> memref<128x32xf32, #tpu.memory_space<vmem>>
      %dma_wait3A_1025 = arith.constant 0 : i32
      %dma_wait3A_1026 = tpu.memref_slice %arg5[%dma_wait3A_1019, %dma_wait3A_1025] : memref<8x128xi32, #tpu.memory_space<vmem>> -> memref<1x128xi32, #tpu.memory_space<vmem>>
      %dma_wait3A_1027 = tpu.memref_squeeze %dma_wait3A_1026 : memref<1x128xi32, #tpu.memory_space<vmem>> -> memref<128xi32, #tpu.memory_space<vmem>>
      %dma_wait3A_1028 = arith.constant 0 : i32
      %dma_wait3A_1029 = arith.constant 0 : i32
      %dma_wait3A_1030 = tpu.memref_slice %arg2[%dma_wait3A_1028, %dma_wait3A_1029] : memref<1000000x32xf32, #tpu.memory_space<hbm>> -> memref<1000000x32xf32, #tpu.memory_space<hbm>>
      tpu.wait_indirect_dma semaphore(%arg8 : memref<!tpu.dma_semaphore, #tpu.memory_space<semaphore_mem>>) src(%dma_wait3A_1030 : memref<1000000x32xf32, #tpu.memory_space<hbm>>) dst(%dma_wait3A_1024 : memref<128x32xf32, #tpu.memory_space<vmem>>)
      %mul3A_1031 = arith.constant 128 : i32
      %mul3A_1032 = arith.muli %rem3A_1018, %mul3A_1031 : i32
      %dma_start3A_1033 = arith.constant 7 : i32
      %dma_start3A_1034 = arith.constant 0 : i32
      %dma_start3A_1035 = arith.constant 0 : i32
      %dma_start3A_1036 = tpu.memref_slice %arg6[%dma_start3A_1033, %dma_start3A_1034, %dma_start3A_1035] : memref<8x128x32xf32, #tpu.memory_space<vmem>> -> memref<1x128x32xf32, #tpu.memory_space<vmem>>
      %dma_start3A_1037 = tpu.memref_squeeze %dma_start3A_1036 : memref<1x128x32xf32, #tpu.memory_space<vmem>> -> memref<128x32xf32, #tpu.memory_space<vmem>>
      %dma_start3A_1038 = arith.constant 0 : i32
      %dma_start3A_1039 = tpu.memref_slice %arg4[%select_n3A_1016, %mul3A_1032, %dma_start3A_1038] : memref<50x16384x32xf32, #tpu.memory_space<hbm>> -> memref<1x128x32xf32, #tpu.memory_space<hbm>>
      %dma_start3A_1040 = tpu.memref_squeeze %dma_start3A_1039 : memref<1x128x32xf32, #tpu.memory_space<hbm>> -> memref<128x32xf32, #tpu.memory_space<hbm>>
      %dma_start3A_1041 = arith.constant 0 : i32
      %dma_start3A_1042 = tpu.memref_slice %arg4[%select_n3A_1016, %mul3A_1032, %dma_start3A_1041] : memref<50x16384x32xf32, #tpu.memory_space<hbm>> -> memref<1x128x32xf32, #tpu.memory_space<hbm>>
      %dma_start3A_1043 = tpu.memref_squeeze %dma_start3A_1042 : memref<1x128x32xf32, #tpu.memory_space<hbm>> -> memref<128x32xf32, #tpu.memory_space<hbm>>
      %dma_start3A_1044 = arith.constant 0 : i32
      %dma_start3A_1045 = arith.constant 0 : i32
      %dma_start3A_1046 = tpu.memref_slice %arg6[%dma_start3A_1033, %dma_start3A_1044, %dma_start3A_1045] : memref<8x128x32xf32, #tpu.memory_space<vmem>> -> memref<1x128x32xf32, #tpu.memory_space<vmem>>
      %dma_start3A_1047 = tpu.memref_squeeze %dma_start3A_1046 : memref<1x128x32xf32, #tpu.memory_space<vmem>> -> memref<128x32xf32, #tpu.memory_space<vmem>>
      tpu.enqueue_dma source(%dma_start3A_1047 : memref<128x32xf32, #tpu.memory_space<vmem>>) target(%dma_start3A_1043 : memref<128x32xf32, #tpu.memory_space<hbm>>) target_semaphore(%arg9 : memref<!tpu.dma_semaphore, #tpu.memory_space<semaphore_mem>>)
      %add3A_1048 = arith.constant 8 : i32
      %add3A_1049 = arith.addi %add3A_991, %add3A_1048 : i32
      %lt3A_1050 = arith.constant 200 : i32
      %lt3A_1051 = arith.cmpi slt, %add3A_1049, %lt3A_1050 : i32
      %convert_element_type3A_1052 = arith.extui %lt3A_1051 : i1 to i32
      %cond3A_1053 = arith.constant 0 : i32
      %cond3A_1054 = arith.cmpi ne, %convert_element_type3A_1052, %cond3A_1053 : i32
      scf.if %cond3A_1054 {
        %add3A_1175 = arith.addi %mul3A_2, %add3A_1049 : i32
        %jit3A_1176 = arith.constant 128 : i32
        %div3A_1177 = arith.divsi %add3A_1175, %jit3A_1176 : i32
        %sign3A_1178 = arith.constant 0 : i32
        %sign3A_1179 = arith.cmpi sgt, %add3A_1175, %sign3A_1178 : i32
        %sign3A_1180 = arith.extui %sign3A_1179 : i1 to i32
        %sign3A_1181 = arith.constant 0 : i32
        %sign3A_1182 = arith.cmpi slt, %add3A_1175, %sign3A_1181 : i32
        %sign3A_1183 = arith.extui %sign3A_1182 : i1 to i32
        %sign3A_1184 = arith.subi %sign3A_1180, %sign3A_1183 : i32
        %sign3A_1185 = arith.constant 0 : i32
        %sign3A_1186 = arith.cmpi sgt, %jit3A_1176, %sign3A_1185 : i32
        %sign3A_1187 = arith.extui %sign3A_1186 : i1 to i32
        %sign3A_1188 = arith.constant 0 : i32
        %sign3A_1189 = arith.cmpi slt, %jit3A_1176, %sign3A_1188 : i32
        %sign3A_1190 = arith.extui %sign3A_1189 : i1 to i32
        %sign3A_1191 = arith.subi %sign3A_1187, %sign3A_1190 : i32
        %ne3A_1192 = arith.cmpi ne, %sign3A_1184, %sign3A_1191 : i32
        %rem3A_1193 = arith.remsi %add3A_1175, %jit3A_1176 : i32
        %ne3A_1194 = arith.constant 0 : i32
        %ne3A_1195 = arith.cmpi ne, %rem3A_1193, %ne3A_1194 : i32
        %and3A_1196 = arith.andi %ne3A_1192, %ne3A_1195 : i1
        %sub3A_1197 = arith.constant 1 : i32
        %sub3A_1198 = arith.subi %div3A_1177, %sub3A_1197 : i32
        %select_n3A_1199 = arith.select %and3A_1196, %sub3A_1198, %div3A_1177 : i32
        %rem3A_1200 = arith.constant 128 : i32
        %rem3A_1201 = arith.remsi %add3A_1175, %rem3A_1200 : i32
        %mul3A_1202 = arith.constant 128 : i32
        %mul3A_1203 = arith.muli %rem3A_1201, %mul3A_1202 : i32
        %dma_start3A_1204 = arith.constant 7 : i32
        %dma_start3A_1205 = arith.constant 0 : i32
        %dma_start3A_1206 = tpu.memref_slice %arg5[%dma_start3A_1204, %dma_start3A_1205] : memref<8x128xi32, #tpu.memory_space<vmem>> -> memref<1x128xi32, #tpu.memory_space<vmem>>
        %dma_start3A_1207 = tpu.memref_squeeze %dma_start3A_1206 : memref<1x128xi32, #tpu.memory_space<vmem>> -> memref<128xi32, #tpu.memory_space<vmem>>
        %dma_start3A_1208 = tpu.memref_slice %arg3[%select_n3A_1199, %mul3A_1203] : memref<50x16384xi32, #tpu.memory_space<hbm>> -> memref<1x128xi32, #tpu.memory_space<hbm>>
        %dma_start3A_1209 = tpu.memref_squeeze %dma_start3A_1208 : memref<1x128xi32, #tpu.memory_space<hbm>> -> memref<128xi32, #tpu.memory_space<hbm>>
        %dma_start3A_1210 = arith.constant 0 : i32
        %dma_start3A_1211 = tpu.memref_slice %arg5[%dma_start3A_1204, %dma_start3A_1210] : memref<8x128xi32, #tpu.memory_space<vmem>> -> memref<1x128xi32, #tpu.memory_space<vmem>>
        %dma_start3A_1212 = tpu.memref_squeeze %dma_start3A_1211 : memref<1x128xi32, #tpu.memory_space<vmem>> -> memref<128xi32, #tpu.memory_space<vmem>>
        %dma_start3A_1213 = tpu.memref_slice %arg3[%select_n3A_1199, %mul3A_1203] : memref<50x16384xi32, #tpu.memory_space<hbm>> -> memref<1x128xi32, #tpu.memory_space<hbm>>
        %dma_start3A_1214 = tpu.memref_squeeze %dma_start3A_1213 : memref<1x128xi32, #tpu.memory_space<hbm>> -> memref<128xi32, #tpu.memory_space<hbm>>
        tpu.enqueue_dma source(%dma_start3A_1214 : memref<128xi32, #tpu.memory_space<hbm>>) target(%dma_start3A_1212 : memref<128xi32, #tpu.memory_space<vmem>>) target_semaphore(%arg7 : memref<!tpu.dma_semaphore, #tpu.memory_space<semaphore_mem>>)
      } else {
      }
      %dma_wait3A_1055 = arith.constant 0 : i32
      %dma_wait3A_1056 = arith.constant 0 : i32
      %dma_wait3A_1057 = arith.constant 0 : i32
      %dma_wait3A_1058 = tpu.memref_slice %arg6[%dma_wait3A_1055, %dma_wait3A_1056, %dma_wait3A_1057] : memref<8x128x32xf32, #tpu.memory_space<vmem>> -> memref<1x128x32xf32, #tpu.memory_space<vmem>>
      %dma_wait3A_1059 = tpu.memref_squeeze %dma_wait3A_1058 : memref<1x128x32xf32, #tpu.memory_space<vmem>> -> memref<128x32xf32, #tpu.memory_space<vmem>>
      %dma_wait3A_1060 = arith.constant 0 : i32
      %dma_wait3A_1061 = tpu.memref_slice %arg4[%select_n3A_564, %mul3A_580, %dma_wait3A_1060] : memref<50x16384x32xf32, #tpu.memory_space<hbm>> -> memref<1x128x32xf32, #tpu.memory_space<hbm>>
      %dma_wait3A_1062 = tpu.memref_squeeze %dma_wait3A_1061 : memref<1x128x32xf32, #tpu.memory_space<hbm>> -> memref<128x32xf32, #tpu.memory_space<hbm>>
      %dma_wait3A_1063 = arith.constant 0 : i32
      %dma_wait3A_1064 = tpu.memref_slice %arg4[%select_n3A_564, %mul3A_580, %dma_wait3A_1063] : memref<50x16384x32xf32, #tpu.memory_space<hbm>> -> memref<1x128x32xf32, #tpu.memory_space<hbm>>
      %dma_wait3A_1065 = tpu.memref_squeeze %dma_wait3A_1064 : memref<1x128x32xf32, #tpu.memory_space<hbm>> -> memref<128x32xf32, #tpu.memory_space<hbm>>
      %dma_wait3A_1066 = arith.constant 0 : i32
      %dma_wait3A_1067 = arith.constant 0 : i32
      %dma_wait3A_1068 = tpu.memref_slice %arg6[%dma_wait3A_1055, %dma_wait3A_1066, %dma_wait3A_1067] : memref<8x128x32xf32, #tpu.memory_space<vmem>> -> memref<1x128x32xf32, #tpu.memory_space<vmem>>
      %dma_wait3A_1069 = tpu.memref_squeeze %dma_wait3A_1068 : memref<1x128x32xf32, #tpu.memory_space<vmem>> -> memref<128x32xf32, #tpu.memory_space<vmem>>
      tpu.wait_dma2 semaphore(%arg9 : memref<!tpu.dma_semaphore, #tpu.memory_space<semaphore_mem>>) src(%dma_wait3A_1069 : memref<128x32xf32, #tpu.memory_space<vmem>>) dst(%dma_wait3A_1065 : memref<128x32xf32, #tpu.memory_space<hbm>>)
      %dma_wait3A_1070 = arith.constant 1 : i32
      %dma_wait3A_1071 = arith.constant 0 : i32
      %dma_wait3A_1072 = arith.constant 0 : i32
      %dma_wait3A_1073 = tpu.memref_slice %arg6[%dma_wait3A_1070, %dma_wait3A_1071, %dma_wait3A_1072] : memref<8x128x32xf32, #tpu.memory_space<vmem>> -> memref<1x128x32xf32, #tpu.memory_space<vmem>>
      %dma_wait3A_1074 = tpu.memref_squeeze %dma_wait3A_1073 : memref<1x128x32xf32, #tpu.memory_space<vmem>> -> memref<128x32xf32, #tpu.memory_space<vmem>>
      %dma_wait3A_1075 = arith.constant 0 : i32
      %dma_wait3A_1076 = tpu.memref_slice %arg4[%select_n3A_626, %mul3A_642, %dma_wait3A_1075] : memref<50x16384x32xf32, #tpu.memory_space<hbm>> -> memref<1x128x32xf32, #tpu.memory_space<hbm>>
      %dma_wait3A_1077 = tpu.memref_squeeze %dma_wait3A_1076 : memref<1x128x32xf32, #tpu.memory_space<hbm>> -> memref<128x32xf32, #tpu.memory_space<hbm>>
      %dma_wait3A_1078 = arith.constant 0 : i32
      %dma_wait3A_1079 = tpu.memref_slice %arg4[%select_n3A_626, %mul3A_642, %dma_wait3A_1078] : memref<50x16384x32xf32, #tpu.memory_space<hbm>> -> memref<1x128x32xf32, #tpu.memory_space<hbm>>
      %dma_wait3A_1080 = tpu.memref_squeeze %dma_wait3A_1079 : memref<1x128x32xf32, #tpu.memory_space<hbm>> -> memref<128x32xf32, #tpu.memory_space<hbm>>
      %dma_wait3A_1081 = arith.constant 0 : i32
      %dma_wait3A_1082 = arith.constant 0 : i32
      %dma_wait3A_1083 = tpu.memref_slice %arg6[%dma_wait3A_1070, %dma_wait3A_1081, %dma_wait3A_1082] : memref<8x128x32xf32, #tpu.memory_space<vmem>> -> memref<1x128x32xf32, #tpu.memory_space<vmem>>
      %dma_wait3A_1084 = tpu.memref_squeeze %dma_wait3A_1083 : memref<1x128x32xf32, #tpu.memory_space<vmem>> -> memref<128x32xf32, #tpu.memory_space<vmem>>
      tpu.wait_dma2 semaphore(%arg9 : memref<!tpu.dma_semaphore, #tpu.memory_space<semaphore_mem>>) src(%dma_wait3A_1084 : memref<128x32xf32, #tpu.memory_space<vmem>>) dst(%dma_wait3A_1080 : memref<128x32xf32, #tpu.memory_space<hbm>>)
      %dma_wait3A_1085 = arith.constant 2 : i32
      %dma_wait3A_1086 = arith.constant 0 : i32
      %dma_wait3A_1087 = arith.constant 0 : i32
      %dma_wait3A_1088 = tpu.memref_slice %arg6[%dma_wait3A_1085, %dma_wait3A_1086, %dma_wait3A_1087] : memref<8x128x32xf32, #tpu.memory_space<vmem>> -> memref<1x128x32xf32, #tpu.memory_space<vmem>>
      %dma_wait3A_1089 = tpu.memref_squeeze %dma_wait3A_1088 : memref<1x128x32xf32, #tpu.memory_space<vmem>> -> memref<128x32xf32, #tpu.memory_space<vmem>>
      %dma_wait3A_1090 = arith.constant 0 : i32
      %dma_wait3A_1091 = tpu.memref_slice %arg4[%select_n3A_691, %mul3A_707, %dma_wait3A_1090] : memref<50x16384x32xf32, #tpu.memory_space<hbm>> -> memref<1x128x32xf32, #tpu.memory_space<hbm>>
      %dma_wait3A_1092 = tpu.memref_squeeze %dma_wait3A_1091 : memref<1x128x32xf32, #tpu.memory_space<hbm>> -> memref<128x32xf32, #tpu.memory_space<hbm>>
      %dma_wait3A_1093 = arith.constant 0 : i32
      %dma_wait3A_1094 = tpu.memref_slice %arg4[%select_n3A_691, %mul3A_707, %dma_wait3A_1093] : memref<50x16384x32xf32, #tpu.memory_space<hbm>> -> memref<1x128x32xf32, #tpu.memory_space<hbm>>
      %dma_wait3A_1095 = tpu.memref_squeeze %dma_wait3A_1094 : memref<1x128x32xf32, #tpu.memory_space<hbm>> -> memref<128x32xf32, #tpu.memory_space<hbm>>
      %dma_wait3A_1096 = arith.constant 0 : i32
      %dma_wait3A_1097 = arith.constant 0 : i32
      %dma_wait3A_1098 = tpu.memref_slice %arg6[%dma_wait3A_1085, %dma_wait3A_1096, %dma_wait3A_1097] : memref<8x128x32xf32, #tpu.memory_space<vmem>> -> memref<1x128x32xf32, #tpu.memory_space<vmem>>
      %dma_wait3A_1099 = tpu.memref_squeeze %dma_wait3A_1098 : memref<1x128x32xf32, #tpu.memory_space<vmem>> -> memref<128x32xf32, #tpu.memory_space<vmem>>
      tpu.wait_dma2 semaphore(%arg9 : memref<!tpu.dma_semaphore, #tpu.memory_space<semaphore_mem>>) src(%dma_wait3A_1099 : memref<128x32xf32, #tpu.memory_space<vmem>>) dst(%dma_wait3A_1095 : memref<128x32xf32, #tpu.memory_space<hbm>>)
      %dma_wait3A_1100 = arith.constant 3 : i32
      %dma_wait3A_1101 = arith.constant 0 : i32
      %dma_wait3A_1102 = arith.constant 0 : i32
      %dma_wait3A_1103 = tpu.memref_slice %arg6[%dma_wait3A_1100, %dma_wait3A_1101, %dma_wait3A_1102] : memref<8x128x32xf32, #tpu.memory_space<vmem>> -> memref<1x128x32xf32, #tpu.memory_space<vmem>>
      %dma_wait3A_1104 = tpu.memref_squeeze %dma_wait3A_1103 : memref<1x128x32xf32, #tpu.memory_space<vmem>> -> memref<128x32xf32, #tpu.memory_space<vmem>>
      %dma_wait3A_1105 = arith.constant 0 : i32
      %dma_wait3A_1106 = tpu.memref_slice %arg4[%select_n3A_756, %mul3A_772, %dma_wait3A_1105] : memref<50x16384x32xf32, #tpu.memory_space<hbm>> -> memref<1x128x32xf32, #tpu.memory_space<hbm>>
      %dma_wait3A_1107 = tpu.memref_squeeze %dma_wait3A_1106 : memref<1x128x32xf32, #tpu.memory_space<hbm>> -> memref<128x32xf32, #tpu.memory_space<hbm>>
      %dma_wait3A_1108 = arith.constant 0 : i32
      %dma_wait3A_1109 = tpu.memref_slice %arg4[%select_n3A_756, %mul3A_772, %dma_wait3A_1108] : memref<50x16384x32xf32, #tpu.memory_space<hbm>> -> memref<1x128x32xf32, #tpu.memory_space<hbm>>
      %dma_wait3A_1110 = tpu.memref_squeeze %dma_wait3A_1109 : memref<1x128x32xf32, #tpu.memory_space<hbm>> -> memref<128x32xf32, #tpu.memory_space<hbm>>
      %dma_wait3A_1111 = arith.constant 0 : i32
      %dma_wait3A_1112 = arith.constant 0 : i32
      %dma_wait3A_1113 = tpu.memref_slice %arg6[%dma_wait3A_1100, %dma_wait3A_1111, %dma_wait3A_1112] : memref<8x128x32xf32, #tpu.memory_space<vmem>> -> memref<1x128x32xf32, #tpu.memory_space<vmem>>
      %dma_wait3A_1114 = tpu.memref_squeeze %dma_wait3A_1113 : memref<1x128x32xf32, #tpu.memory_space<vmem>> -> memref<128x32xf32, #tpu.memory_space<vmem>>
      tpu.wait_dma2 semaphore(%arg9 : memref<!tpu.dma_semaphore, #tpu.memory_space<semaphore_mem>>) src(%dma_wait3A_1114 : memref<128x32xf32, #tpu.memory_space<vmem>>) dst(%dma_wait3A_1110 : memref<128x32xf32, #tpu.memory_space<hbm>>)
      %dma_wait3A_1115 = arith.constant 4 : i32
      %dma_wait3A_1116 = arith.constant 0 : i32
      %dma_wait3A_1117 = arith.constant 0 : i32
      %dma_wait3A_1118 = tpu.memref_slice %arg6[%dma_wait3A_1115, %dma_wait3A_1116, %dma_wait3A_1117] : memref<8x128x32xf32, #tpu.memory_space<vmem>> -> memref<1x128x32xf32, #tpu.memory_space<vmem>>
      %dma_wait3A_1119 = tpu.memref_squeeze %dma_wait3A_1118 : memref<1x128x32xf32, #tpu.memory_space<vmem>> -> memref<128x32xf32, #tpu.memory_space<vmem>>
      %dma_wait3A_1120 = arith.constant 0 : i32
      %dma_wait3A_1121 = tpu.memref_slice %arg4[%select_n3A_821, %mul3A_837, %dma_wait3A_1120] : memref<50x16384x32xf32, #tpu.memory_space<hbm>> -> memref<1x128x32xf32, #tpu.memory_space<hbm>>
      %dma_wait3A_1122 = tpu.memref_squeeze %dma_wait3A_1121 : memref<1x128x32xf32, #tpu.memory_space<hbm>> -> memref<128x32xf32, #tpu.memory_space<hbm>>
      %dma_wait3A_1123 = arith.constant 0 : i32
      %dma_wait3A_1124 = tpu.memref_slice %arg4[%select_n3A_821, %mul3A_837, %dma_wait3A_1123] : memref<50x16384x32xf32, #tpu.memory_space<hbm>> -> memref<1x128x32xf32, #tpu.memory_space<hbm>>
      %dma_wait3A_1125 = tpu.memref_squeeze %dma_wait3A_1124 : memref<1x128x32xf32, #tpu.memory_space<hbm>> -> memref<128x32xf32, #tpu.memory_space<hbm>>
      %dma_wait3A_1126 = arith.constant 0 : i32
      %dma_wait3A_1127 = arith.constant 0 : i32
      %dma_wait3A_1128 = tpu.memref_slice %arg6[%dma_wait3A_1115, %dma_wait3A_1126, %dma_wait3A_1127] : memref<8x128x32xf32, #tpu.memory_space<vmem>> -> memref<1x128x32xf32, #tpu.memory_space<vmem>>
      %dma_wait3A_1129 = tpu.memref_squeeze %dma_wait3A_1128 : memref<1x128x32xf32, #tpu.memory_space<vmem>> -> memref<128x32xf32, #tpu.memory_space<vmem>>
      tpu.wait_dma2 semaphore(%arg9 : memref<!tpu.dma_semaphore, #tpu.memory_space<semaphore_mem>>) src(%dma_wait3A_1129 : memref<128x32xf32, #tpu.memory_space<vmem>>) dst(%dma_wait3A_1125 : memref<128x32xf32, #tpu.memory_space<hbm>>)
      %dma_wait3A_1130 = arith.constant 5 : i32
      %dma_wait3A_1131 = arith.constant 0 : i32
      %dma_wait3A_1132 = arith.constant 0 : i32
      %dma_wait3A_1133 = tpu.memref_slice %arg6[%dma_wait3A_1130, %dma_wait3A_1131, %dma_wait3A_1132] : memref<8x128x32xf32, #tpu.memory_space<vmem>> -> memref<1x128x32xf32, #tpu.memory_space<vmem>>
      %dma_wait3A_1134 = tpu.memref_squeeze %dma_wait3A_1133 : memref<1x128x32xf32, #tpu.memory_space<vmem>> -> memref<128x32xf32, #tpu.memory_space<vmem>>
      %dma_wait3A_1135 = arith.constant 0 : i32
      %dma_wait3A_1136 = tpu.memref_slice %arg4[%select_n3A_886, %mul3A_902, %dma_wait3A_1135] : memref<50x16384x32xf32, #tpu.memory_space<hbm>> -> memref<1x128x32xf32, #tpu.memory_space<hbm>>
      %dma_wait3A_1137 = tpu.memref_squeeze %dma_wait3A_1136 : memref<1x128x32xf32, #tpu.memory_space<hbm>> -> memref<128x32xf32, #tpu.memory_space<hbm>>
      %dma_wait3A_1138 = arith.constant 0 : i32
      %dma_wait3A_1139 = tpu.memref_slice %arg4[%select_n3A_886, %mul3A_902, %dma_wait3A_1138] : memref<50x16384x32xf32, #tpu.memory_space<hbm>> -> memref<1x128x32xf32, #tpu.memory_space<hbm>>
      %dma_wait3A_1140 = tpu.memref_squeeze %dma_wait3A_1139 : memref<1x128x32xf32, #tpu.memory_space<hbm>> -> memref<128x32xf32, #tpu.memory_space<hbm>>
      %dma_wait3A_1141 = arith.constant 0 : i32
      %dma_wait3A_1142 = arith.constant 0 : i32
      %dma_wait3A_1143 = tpu.memref_slice %arg6[%dma_wait3A_1130, %dma_wait3A_1141, %dma_wait3A_1142] : memref<8x128x32xf32, #tpu.memory_space<vmem>> -> memref<1x128x32xf32, #tpu.memory_space<vmem>>
      %dma_wait3A_1144 = tpu.memref_squeeze %dma_wait3A_1143 : memref<1x128x32xf32, #tpu.memory_space<vmem>> -> memref<128x32xf32, #tpu.memory_space<vmem>>
      tpu.wait_dma2 semaphore(%arg9 : memref<!tpu.dma_semaphore, #tpu.memory_space<semaphore_mem>>) src(%dma_wait3A_1144 : memref<128x32xf32, #tpu.memory_space<vmem>>) dst(%dma_wait3A_1140 : memref<128x32xf32, #tpu.memory_space<hbm>>)
      %dma_wait3A_1145 = arith.constant 6 : i32
      %dma_wait3A_1146 = arith.constant 0 : i32
      %dma_wait3A_1147 = arith.constant 0 : i32
      %dma_wait3A_1148 = tpu.memref_slice %arg6[%dma_wait3A_1145, %dma_wait3A_1146, %dma_wait3A_1147] : memref<8x128x32xf32, #tpu.memory_space<vmem>> -> memref<1x128x32xf32, #tpu.memory_space<vmem>>
      %dma_wait3A_1149 = tpu.memref_squeeze %dma_wait3A_1148 : memref<1x128x32xf32, #tpu.memory_space<vmem>> -> memref<128x32xf32, #tpu.memory_space<vmem>>
      %dma_wait3A_1150 = arith.constant 0 : i32
      %dma_wait3A_1151 = tpu.memref_slice %arg4[%select_n3A_951, %mul3A_967, %dma_wait3A_1150] : memref<50x16384x32xf32, #tpu.memory_space<hbm>> -> memref<1x128x32xf32, #tpu.memory_space<hbm>>
      %dma_wait3A_1152 = tpu.memref_squeeze %dma_wait3A_1151 : memref<1x128x32xf32, #tpu.memory_space<hbm>> -> memref<128x32xf32, #tpu.memory_space<hbm>>
      %dma_wait3A_1153 = arith.constant 0 : i32
      %dma_wait3A_1154 = tpu.memref_slice %arg4[%select_n3A_951, %mul3A_967, %dma_wait3A_1153] : memref<50x16384x32xf32, #tpu.memory_space<hbm>> -> memref<1x128x32xf32, #tpu.memory_space<hbm>>
      %dma_wait3A_1155 = tpu.memref_squeeze %dma_wait3A_1154 : memref<1x128x32xf32, #tpu.memory_space<hbm>> -> memref<128x32xf32, #tpu.memory_space<hbm>>
      %dma_wait3A_1156 = arith.constant 0 : i32
      %dma_wait3A_1157 = arith.constant 0 : i32
      %dma_wait3A_1158 = tpu.memref_slice %arg6[%dma_wait3A_1145, %dma_wait3A_1156, %dma_wait3A_1157] : memref<8x128x32xf32, #tpu.memory_space<vmem>> -> memref<1x128x32xf32, #tpu.memory_space<vmem>>
      %dma_wait3A_1159 = tpu.memref_squeeze %dma_wait3A_1158 : memref<1x128x32xf32, #tpu.memory_space<vmem>> -> memref<128x32xf32, #tpu.memory_space<vmem>>
      tpu.wait_dma2 semaphore(%arg9 : memref<!tpu.dma_semaphore, #tpu.memory_space<semaphore_mem>>) src(%dma_wait3A_1159 : memref<128x32xf32, #tpu.memory_space<vmem>>) dst(%dma_wait3A_1155 : memref<128x32xf32, #tpu.memory_space<hbm>>)
      %dma_wait3A_1160 = arith.constant 7 : i32
      %dma_wait3A_1161 = arith.constant 0 : i32
      %dma_wait3A_1162 = arith.constant 0 : i32
      %dma_wait3A_1163 = tpu.memref_slice %arg6[%dma_wait3A_1160, %dma_wait3A_1161, %dma_wait3A_1162] : memref<8x128x32xf32, #tpu.memory_space<vmem>> -> memref<1x128x32xf32, #tpu.memory_space<vmem>>
      %dma_wait3A_1164 = tpu.memref_squeeze %dma_wait3A_1163 : memref<1x128x32xf32, #tpu.memory_space<vmem>> -> memref<128x32xf32, #tpu.memory_space<vmem>>
      %dma_wait3A_1165 = arith.constant 0 : i32
      %dma_wait3A_1166 = tpu.memref_slice %arg4[%select_n3A_1016, %mul3A_1032, %dma_wait3A_1165] : memref<50x16384x32xf32, #tpu.memory_space<hbm>> -> memref<1x128x32xf32, #tpu.memory_space<hbm>>
      %dma_wait3A_1167 = tpu.memref_squeeze %dma_wait3A_1166 : memref<1x128x32xf32, #tpu.memory_space<hbm>> -> memref<128x32xf32, #tpu.memory_space<hbm>>
      %dma_wait3A_1168 = arith.constant 0 : i32
      %dma_wait3A_1169 = tpu.memref_slice %arg4[%select_n3A_1016, %mul3A_1032, %dma_wait3A_1168] : memref<50x16384x32xf32, #tpu.memory_space<hbm>> -> memref<1x128x32xf32, #tpu.memory_space<hbm>>
      %dma_wait3A_1170 = tpu.memref_squeeze %dma_wait3A_1169 : memref<1x128x32xf32, #tpu.memory_space<hbm>> -> memref<128x32xf32, #tpu.memory_space<hbm>>
      %dma_wait3A_1171 = arith.constant 0 : i32
      %dma_wait3A_1172 = arith.constant 0 : i32
      %dma_wait3A_1173 = tpu.memref_slice %arg6[%dma_wait3A_1160, %dma_wait3A_1171, %dma_wait3A_1172] : memref<8x128x32xf32, #tpu.memory_space<vmem>> -> memref<1x128x32xf32, #tpu.memory_space<vmem>>
      %dma_wait3A_1174 = tpu.memref_squeeze %dma_wait3A_1173 : memref<1x128x32xf32, #tpu.memory_space<vmem>> -> memref<128x32xf32, #tpu.memory_space<vmem>>
      tpu.wait_dma2 semaphore(%arg9 : memref<!tpu.dma_semaphore, #tpu.memory_space<semaphore_mem>>) src(%dma_wait3A_1174 : memref<128x32xf32, #tpu.memory_space<vmem>>) dst(%dma_wait3A_1170 : memref<128x32xf32, #tpu.memory_space<hbm>>)
    }
    %scan3A_325 = arith.constant 25 : i32
    return
  }
}

</mosaic_0001>

<sc_bundles>
// kernel: kernel.3.cloned.1.call-start
scs
__scs_entry_jumppad:
0x0: {  	(pc) =	sbr.rel $0x88, $3  }
0x1: {  	(tag) =	ssettag $0x0;
	lr =	simm.s32 $0x1  }
0x2: {  	[smem:$0x3F9F] =	sst lr;
	_ =	strace $0xD0000000  }
0x3: {  	_ = 	snop  }
0x4: {  	_ = 	snop  }
0x5: {  	_ = 	snop  }
0x6: {  	_ = 	snop  }
0x7: {  	_ = 	snop  }
__scs_overlays_trampoline_lowered:
0x8: {  	[smem:$0x3FAE] =	sst s0  }
0x9: {  	[smem:$0x3FAF] =	sst s1  }
0xa: {  	[smem:$0x3FB0] =	sst s2  }
0xb: {  	[smem:$0x3FB1] =	sst s3  }
0xc: {  	[smem:$0x3FB2] =	sst s4  }
0xd: {  	[smem:$0x3FB3] =	sst s5  }
0xe: {  	[smem:$0x3FB4] =	sst s6  }
0xf: {  	[smem:$0x3FB5] =	sst s7  }
0x10: {  	[smem:$0x3FB6] =	sst s8  }
0x11: {  	[smem:$0x3FB7] =	sst s9;
	s0 =	simm.s32 @!p0 $0x0  }
0x12: {  	s1 =	sld [smem:$0x3F9D];
	s0 =	simm.s32 @p0 $0x1  }
0x13: {  	[smem:$0x3FB8] =	sst s0;
	s0 =	simm.s32 @!p1 $0x0  }
0x14: {  	s2 =	sld [smem:$0x3F9C];
	s0 =	simm.s32 @p1 $0x1  }
0x15: {  	[smem:$0x3FB9] =	sst s0;
	s0 =	simm.s32 @!p2 $0x0  }
0x16: {  	s3 =	sld [smem:$0x3FDB];
	s0 =	simm.s32 @p2 $0x1  }
0x17: {  	s4 =	simm.s32 $0x1BF5;
	[smem:$0x3FBB] =	sst s0  }
0x18: {  	s0 =	sld [smem:$0x3F9E];
	_ =	swait.ge [sflag:s4], $0x0  }
0x19: {  	s7 =	sld [smem:$0x3F9F]  }
0x1a: {  	s8 =	sadd.s32 $0xFFFFE003, lr  }
0x1b: {  	s9 =	sadd.s32 $0xFFFFFEF7, lr;
	s5 =	simm.s32 $0xFFFFFFFF;
	p2 =	slt.u32 s8, $0xFFFFF086  }
0x1c: {  	p1 =	slt.u32 s9, $0xF7A;
	s5 =	simm.s32 @!p2 $0x0  }
0x1d: {  	s5 =	simm.s32 @p1 $0x1;
	p0 =	seq.s32 s7, s2  }
0x1e: {  	s7 =	smul.u32 @!p0 $0xF7A, s2;
	p2 =	seq.s32 @!p0 s5, $0x0  }
0x1f: {  	s9 =	smul.u32 $0xF7A, s1;
	s8 =	simm.s32 @!p0 $0x1BF5;
	p2 =	por !p2, p0  }
0x20: {  	[sflag:s8] =	ssyncset.s32 @!p0 $0xFFFFF086;
	s6 =	sadd.s32 @!p0 s3, s7;
	s7 =	simm.s32 @!p0 $0x108  }
0x21: {  	s3 =	sadd.s32 s3, s9;
	s6 =	sadd.s32 @!p0 $0x88, s6;
	s7 =	simm.s32 @p2 $0x1082  }
0x22: {  	[simem:s7], [sflag:s8] =	dma.local @!p0 [hbm:s6], $0xF7A  }
0x23: {  	s9 =	sor.u32 $0xD0000000, s2;
	s6 =	simm.s32 $0x108;
	_ =	swait.ge @!p0 [sflag:s8], $0x0  }
0x24: {  	s3 =	sadd.s32 $0x88, s3;
	s6 =	simm.s32 @!p1 $0x1082;
	[sflag:s4] =	ssyncset.s32 $0xFFFFF086  }
0x25: {  	[simem:s6], [sflag:s4] =	dma.local [hbm:s3], $0xF7A  }
0x26: {  	[smem:$0x3F9F] =	sst s1;
	(tag) =	ssettag s2;
	_ =	strace s9  }
0x27: {  	s1 =	sld [smem:$0x3FAF]  }
0x28: {  	s2 =	sld [smem:$0x3FB0]  }
0x29: {  	s4 =	sld [smem:$0x3FB2]  }
0x2a: {  	p0 =	seq.s32 s5, $0x0;
	s5 =	sld [smem:$0x3FB3]  }
0x2b: {  	s6 =	sld [smem:$0x3FB4]  }
0x2c: {  	s7 =	sld [smem:$0x3FB5]  }
0x2d: {  	s3 =	simm.s32 $0x108;
	s8 =	sld [smem:$0x3FB6]  }
0x2e: {  	s3 =	simm.s32 @!p0 $0x1082;
	s9 =	sld [smem:$0x3FB7]  }
0x2f: {  	lr =	sadd.s32 s0, s3;
	s0 =	sld [smem:$0x3FAE]  }
0x30: {  	s3 =	sld [smem:$0x3FB1]  }
0x31: {  	[smem:$0x3FBA] =	sst s10  }
0x32: {  	s10 =	sld [smem:$0x3FB8];
	_ =	sdelay $0x3  }
0x33: {  	p0 =	seq.s32 s10, $0x1;
	s10 =	sld [smem:$0x3FBA];
	_ =	sdelay $0x3  }
0x34: {  	[smem:$0x3FBA] =	sst s10  }
0x35: {  	s10 =	sld [smem:$0x3FB9];
	_ =	sdelay $0x3  }
0x36: {  	p1 =	seq.s32 s10, $0x1;
	s10 =	sld [smem:$0x3FBA];
	_ =	sdelay $0x3  }
0x37: {  	[smem:$0x3FBA] =	sst s10  }
0x38: {  	s10 =	sld [smem:$0x3FBB]  }
0x39: {  	_ = 	snop;
	(pc) =	sbr.ind lr, $3  }
0x3a: {  	_ = 	snop  }
0x3b: {  	_ = 	snop  }
0x3c: {  	p2 =	seq.s32 s10, $0x1;
	s10 =	sld [smem:$0x3FBA]  }
0x3d: {  	_ =	shalt  }
0x3e: {  	_ =	shalt  }
0x3f: {  	_ =	shalt  }
0x40: {  	_ =	shalt  }
0x41: {  	_ =	shalt  }
0x42: {  	_ =	shalt  }
0x43: {  	_ =	shalt  }
0x44: {  	_ =	shalt  }
0x45: {  	_ =	shalt  }
0x46: {  	_ =	shalt  }
0x47: {  	_ =	shalt  }
0x48: {  	_ =	shalt  }
0x49: {  	_ =	shalt  }
0x4a: {  	_ =	shalt  }
0x4b: {  	_ =	shalt  }
0x4c: {  	_ =	shalt  }
0x4d: {  	_ =	shalt  }
0x4e: {  	_ =	shalt  }
0x4f: {  	_ =	shalt  }
0x50: {  	_ =	shalt  }
0x51: {  	_ =	shalt  }
0x52: {  	_ =	shalt  }
0x53: {  	_ =	shalt  }
0x54: {  	_ =	shalt  }
0x55: {  	_ =	shalt  }
0x56: {  	_ =	shalt  }
0x57: {  	_ =	shalt  }
0x58: {  	_ =	shalt  }
0x59: {  	_ =	shalt  }
0x5a: {  	_ =	shalt  }
0x5b: {  	_ =	shalt  }
0x5c: {  	_ =	shalt  }
0x5d: {  	_ =	shalt  }
0x5e: {  	_ =	shalt  }
0x5f: {  	_ =	shalt  }
0x60: {  	_ =	shalt  }
0x61: {  	_ =	shalt  }
0x62: {  	_ =	shalt  }
0x63: {  	_ =	shalt  }
0x64: {  	_ =	shalt  }
0x65: {  	_ =	shalt  }
0x66: {  	_ =	shalt  }
0x67: {  	_ =	shalt  }
0x68: {  	_ =	shalt  }
0x69: {  	_ =	shalt  }
0x6a: {  	_ =	shalt  }
0x6b: {  	_ =	shalt  }
0x6c: {  	_ =	shalt  }
0x6d: {  	_ =	shalt  }
0x6e: {  	_ =	shalt  }
0x6f: {  	_ =	shalt  }
0x70: {  	_ =	shalt  }
0x71: {  	_ =	shalt  }
0x72: {  	_ =	shalt  }
0x73: {  	_ =	shalt  }
0x74: {  	_ =	shalt  }
0x75: {  	_ =	shalt  }
0x76: {  	_ =	shalt  }
0x77: {  	_ =	shalt  }
0x78: {  	_ =	shalt  }
0x79: {  	_ =	shalt  }
0x7a: {  	_ =	shalt  }
0x7b: {  	_ =	shalt  }
0x7c: {  	_ =	shalt  }
0x7d: {  	_ =	shalt  }
0x7e: {  	_ =	shalt  }
0x7f: {  	_ =	shalt  }
0x80: {  	_ =	shalt  }
0x81: {  	_ =	shalt  }
0x82: {  	_ =	shalt  }
0x83: {  	_ =	shalt  }
0x84: {  	_ =	shalt  }
0x85: {  	_ =	shalt  }
0x86: {  	_ =	shalt  }
0x87: {  	_ =	shalt  }
.Lfunc_end0:
.L_simem_size_0:
called_computation.1_lowered:
.L_overlay_start_0:
0x88: {  	s2 =	sld [smem:$0x3FD9]  }
0x89: {  	s3 =	sld [smem:$0x3FFE];
	_ =	sdelay $0x1  }
0x8a: {  	s1 =	srdreg.scid  }
0x8b: {  	s0 =	sand.u32 $0x1, s1  }
0x8c: {  	s17 =	sshll.u32 s0, $0xA;
	s2 =	sadd.s32 s3, s2  }
0x8d: {  	s2 =	sadd.s32 s2, s17  }
0x8e: {  	[smem:$0x3FC6] =	sst s2  }
0x8f: {  	_ = 	snop  }
0x90: {  	s2 =	sld [smem:$0x3FD0];
	(tm) =	ssettm $0x1  }
0x91: {  	s18 =	sld [smem:$0x3FFB];
	_ =	sdelay $0x3  }
0x92: {  	_ =	strace s18  }
0x93: {  	s3 =	sld [smem:$0x3FFC];
	_ =	sdelay $0x3  }
0x94: {  	_ =	strace s3  }
0x95: {  	s3 =	sld [smem:$0x3FFD];
	_ =	sdelay $0x3  }
0x96: {  	_ =	strace s3  }
0x97: {  	_ =	strace $0x8FFFFFFF  }
0x98: {  	s19 =	sld [smem:$0x3FDB];
	_ =	sdelay $0x1  }
0x99: {  	s4 =	simm.s32 $_scs_section_size  }
0x9a: {  	s5 =	simm.s32 $_size__tile_overlayer_lowered;
	s6 =	simm.s32 $_tile_overlayer_lowered  }
0x9b: {  	s22 =	simm.s32 $0x1BFF;
	s21 =	sshll.u32 s6, $0x1;
	s3 =	sadd.s32 s4, s19  }
0x9c: {  	s7 =	simm.s32 $0x0;
	s20 =	sshll.u32 s5, $0x1;
	s5 =	sadd.s32 s21, s3  }
0x9d: {  	[timem:s7], [sflag:s22] =	dma.local [hbm:s5], s20  }
0x9e: {  	_ =	swait.ge [sflag:s22], s20  }
0x9f: {  	s4 =	ssub.s32 $0x0, s20;
	[sflag:s22] =	ssyncset.done $0x0  }
0xa0: {  	[sflag:s22] =	ssyncadd.s32 s4;
	_ =	sdelay $0x1  }
0xa1: {  	s23 =	simm.s32 $0x1B8B  }
0xa2: {  	_ =	swait.ge [sflag:s23], $0x1  }
0xa3: {  	[sflag:s23] =	ssyncset.done $0x0  }
0xa4: {  	s25 =	simm.s32 $0x1B8E;
	s24 =	sld [smem:$0x3FFE];
	[sflag:s23] =	ssyncadd.s32 $0xFFFFFFFF  }
0xa5: {  	s26 =	simm.s32 $execute0_lowered;
	[smem:$0x3FD2] =	sst s25  }
0xa6: {  	s5 =	sshll.u32 s26, $0x1;
	_ =	strace $0x80000046;
	[dreg:$0x1] =	wrdreg $0xFFFFFFFF  }
0xa7: {  	s28 =	simm.s32 $_size_execute0_lowered;
	s3 =	sadd.s32 s3, s5;
	[dreg:$0x0] =	wrdreg $0x0  }
0xa8: {  	s5 =	sshll.u32 s28, $0x1;
	[dreg:$0x2] =	wrdreg s3  }
0xa9: {  	[dreg:$0x3] =	wrdreg s5  }
0xaa: {  	[dreg:$0x4] =	wrdreg $0xC0  }
0xab: {  	_ =	task [dreg:s7], $0x5FFFF  }
0xac: {  	[dreg:$0x1] =	wrdreg $0xFFFFFFFF  }
0xad: {  	[dreg:$0x0] =	wrdreg $0x60  }
0xae: {  	[dreg:$0x2] =	wrdreg s24  }
0xaf: {  	[dreg:$0x3] =	wrdreg s2  }
0xb0: {  	[dreg:$0x4] =	wrdreg $0x9  }
0xb1: {  	_ =	task.clear_ibuf [dreg:s7], $0x5FFFF;
	_ =	strace $0x90000046  }
0xb2: {  	s29 =	simm.s32 $0x9;
	_ =	strace $0x80000048  }
0xb3: {  	_ =	swait.ge [sflag:s29], $0x1  }
0xb4: {  	[sflag:s29] =	ssyncadd.s32 $0xFFFFFFFF  }
0xb5: {  	_ =	strace $0x90000048  }
0xb6: {  	_ =	sfence  }
0xb7: {  	s30 =	sld [smem:$0x0];
	_ =	sdelay $0x2  }
0xb8: {  	s31 =	sshll.u32 s1, $0xD;
	s1 =	sshrl.u32 s1, $0x2  }
0xb9: {  	s3 =	sand.u32 $0x4000, s31;
	s1 =	sadd.s32 s1, s30  }
0xba: {  	s0 =	sor.u32 s3, s0;
	s1 =	sshll.u32 s1, $0x11  }
0xbb: {  	s0 =	sor.u32 s1, s0  }
0xbc: {  	s0 =	sadd.s32 $0x8F2B, s0  }
0xbd: {  	[sflag:s0] =	ssyncadd.remote.s32 $0x1  }
0xbe: {  	_ =	sfence.sel $0xFFFF  }
0xbf: {  	[dreg:$0x0] =	wrdreg $0xFFFFFFFF;
	(pc) =	sbr.abs _section_cstart, $3  }
0xc0: {  	[dreg:$0x1] =	wrdreg $0xFFFFFFFF  }
0xc1: {  	_ =	task.clear_ibuf [dreg:s7], $0x2FFFF;
	_ =	strace $0x9FFFFFFF  }
0xc2: {  	(tm) =	ssettm $0x7FFFFFFF  }
0xc3: {  	_ =	shalt  }
tec
execute0_lowered:
.L_overlay_start_1:
0x0: {  	(tag) =	ssettag $0x1  }
0x1: {  	s8 =	stileid.u32  }
0x2: {  	s0 =	srdreg.scid;
	s7 =	smul.u32 $0xC8, s8  }
0x3: {  	s0 =	sand.u32 $0x1, s0;
	s23 =	smul.u32 $0x19000, s8  }
0x4: {  	s2 =	sshll.u32 s0, $0x4;
	s5 =	smul.u32 $0xC80, s0  }
0x5: {  	s10 =	ssub.s32 $0x2, s0;
	s0 =	smul.u32 $0x190000, s0;
	s2 =	sor.u32 s8, s2  }
0x6: {  	s1 =	rddreg [dreg:$0x0];
	s4 =	smul.u32 $0x6400, s2  }
0x7: {  	s3 =	simm.s32 $0x0;
	s28 =	simm.s32 $0x4400;
	s2 =	smul.u32 $0x2400, s2  }
0x8: {  	[smem:$0x7FF] =	sst s3;
	s9 =	sshrl.u32 s10, $0x1;
	s7 =	sadd.s32 s7, s5  }
0x9: {  	s0 =	sadd.s32 s23, s0;
	s6 =	sand.u32 $0xFC000, s4;
	s2 =	sand.u32 $0x3C00, s2  }
0xa: {  	s2 =	sor.u32 s2, s6;
	s6 =	ssub.s32 s10, s9;
	s9 =	sshll.u32 s7, $0x9  }
0xb: {  	_ =	strace $0x80000047;
	[dreg:$0xa] =	wrdreg s0;
	s19 =	sor.u32 $0xC00, s9  }
0xc: {  	s4 =	sadd.s32 $0xF42E00, s1;
	s22 =	sor.u32 $0x800, s9;
	[dreg:$0x5] =	wrdreg s19  }
0xd: {  	s1 =	sadd.s32 $0xA00, s1;
	s25 =	sor.u32 $0x400, s9;
	[dreg:$0x7] =	wrdreg s22  }
0xe: {  	s2 =	sshrl.u32 s2, $0x3;
	s26 =	smax.u32 s6, $0x1;
	[dreg:$0x9] =	wrdreg s25  }
0xf: {  	s29 =	simm.s32 $0x5400;
	s11 =	sadd.s32 s1, s2;
	[dreg:$0x13] =	wrdreg s26  }
0x10: {  	s30 =	simm.s32 $0x6400;
	s13 =	sadd.s32 $0x10, s11;
	[dreg:$0xb] =	wrdreg s11  }
0x11: {  	s12 =	sshll.u32 s7, $0x4;
	s14 =	sadd.s32 $0x20, s11;
	[dreg:$0xc] =	wrdreg s13  }
0x12: {  	s1 =	sadd.s32 s1, s12;
	s15 =	sadd.s32 $0x30, s11;
	[dreg:$0xd] =	wrdreg s14  }
0x13: {  	s31 =	simm.s32 $0x7400;
	s16 =	sadd.s32 $0x80, s1;
	[dreg:$0xe] =	wrdreg s15  }
0x14: {  	s23 =	simm.s32 $0x400;
	s18 =	sadd.s32 $0x40, s11;
	[dreg:$0x3] =	wrdreg s16  }
0x15: {  	s0 =	simm.s32 $0x3;
	s17 =	sadd.s32 $0xE0, s1;
	[dreg:$0xf] =	wrdreg s18  }
0x16: {  	s6 =	simm.s32 $0x0;
	s20 =	sadd.s32 $0x50, s11;
	[dreg:$0x4] =	wrdreg s17  }
0x17: {  	s19 =	simm.s32 $0x280;
	s21 =	sadd.s32 $0xC0, s1;
	[dreg:$0x10] =	wrdreg s20  }
0x18: {  	s22 =	simm.s32 $0x1;
	s24 =	sadd.s32 $0x60, s11;
	[dreg:$0x6] =	wrdreg s21  }
0x19: {  	s25 =	simm.s32 $0x2400;
	s1 =	sadd.s32 $0xA0, s1;
	[dreg:$0x11] =	wrdreg s24  }
0x1a: {  	s26 =	simm.s32 $0x3400;
	s5 =	sadd.s32 $0x70, s11;
	[dreg:$0x8] =	wrdreg s1  }
0x1b: {  	[dreg:$0x12] =	wrdreg s5;
	s15 =	simm.s32 $0x80;
	s16 =	simm.s32 $0x100  }
0x1c: {  	s17 =	simm.s32 $0x180;
	s18 =	simm.s32 $0x200;
	s20 =	simm.s32 $0x300  }
0x1d: {  	s21 =	simm.s32 $0x380;
	s24 =	simm.s32 $0x1400;
	s1 =	simm.s32 $0x2  }
.LBB2_1:
0x1e: {  	s2 =	rddreg [dreg:$0xb]  }
0x1f: {  	[tilespmem:s3], [sflag:$0x1] =	stream.linear.gather [hbm4b:s2+s3], $0x80, $0x38;
	[tilespmem:$0x8400] =	vst v63  }
0x20: {  	s13 =	rddreg [dreg:$0xc]  }
0x21: {  	[tilespmem:s15], [sflag:$0x1] =	stream.linear.gather [hbm4b:s13+s3], $0x80, $0x38;
	[tilespmem:$0x8400] =	vst v63  }
0x22: {  	s14 =	rddreg [dreg:$0xd]  }
0x23: {  	[tilespmem:s16], [sflag:$0x1] =	stream.linear.gather [hbm4b:s14+s3], $0x80, $0x38;
	[tilespmem:$0x8400] =	vst v63  }
0x24: {  	s5 =	rddreg [dreg:$0xe]  }
0x25: {  	[tilespmem:s17], [sflag:$0x1] =	stream.linear.gather [hbm4b:s5+s3], $0x80, $0x38;
	[tilespmem:$0x8400] =	vst v63  }
0x26: {  	s7 =	rddreg [dreg:$0xf]  }
0x27: {  	[tilespmem:s18], [sflag:$0x1] =	stream.linear.gather [hbm4b:s7+s3], $0x80, $0x38;
	[tilespmem:$0x8400] =	vst v63  }
0x28: {  	s8 =	rddreg [dreg:$0x10]  }
0x29: {  	[tilespmem:s19], [sflag:$0x1] =	stream.linear.gather [hbm4b:s8+s3], $0x80, $0x38;
	[tilespmem:$0x8400] =	vst v63  }
0x2a: {  	s10 =	rddreg [dreg:$0x11]  }
0x2b: {  	[tilespmem:s20], [sflag:$0x1] =	stream.linear.gather [hbm4b:s10+s3], $0x80, $0x38;
	[tilespmem:$0x8400] =	vst v63  }
0x2c: {  	s11 =	rddreg [dreg:$0x12]  }
0x2d: {  	[tilespmem:s21], [sflag:$0x1] =	stream.linear.gather [hbm4b:s11+s3], $0x80, $0x38;
	[tilespmem:$0x8400] =	vst v63  }
0x2e: {  	_ =	swait.ge [sflag:s22], $0x80  }
0x2f: {  	[sflag:s22] =	ssyncset.done $0x0  }
0x30: {  	[sflag:s22] =	ssyncadd.s32 $0xFFFFFF80  }
0x31: {  	[tilespmem:s23], [sflag:$0x2] =	stream.indirect.gather [hbm4b:s4+s15], $0x20, s3, s15, $0xb8;
	[tilespmem:$0x8400] =	vst v63  }
0x32: {  	_ =	swait.ge [sflag:s22], $0x80  }
0x33: {  	[sflag:s22] =	ssyncset.done $0x0  }
0x34: {  	[sflag:s22] =	ssyncadd.s32 $0xFFFFFF80  }
0x35: {  	[tilespmem:s24], [sflag:$0x2] =	stream.indirect.gather [hbm4b:s4+s15], $0x20, s15, s15, $0xb8;
	[tilespmem:$0x8400] =	vst v63  }
0x36: {  	_ =	swait.ge [sflag:s22], $0x80  }
0x37: {  	[sflag:s22] =	ssyncset.done $0x0  }
0x38: {  	[sflag:s22] =	ssyncadd.s32 $0xFFFFFF80  }
0x39: {  	[tilespmem:s25], [sflag:$0x2] =	stream.indirect.gather [hbm4b:s4+s15], $0x20, s16, s15, $0xb8;
	[tilespmem:$0x8400] =	vst v63  }
0x3a: {  	_ =	swait.ge [sflag:s22], $0x80  }
0x3b: {  	[sflag:s22] =	ssyncset.done $0x0  }
0x3c: {  	[sflag:s22] =	ssyncadd.s32 $0xFFFFFF80  }
0x3d: {  	[tilespmem:s26], [sflag:$0x2] =	stream.indirect.gather [hbm4b:s4+s15], $0x20, s17, s15, $0xb8;
	[tilespmem:$0x8400] =	vst v63  }
0x3e: {  	_ =	swait.ge [sflag:s22], $0x80  }
0x3f: {  	[sflag:s22] =	ssyncset.done $0x0  }
0x40: {  	[sflag:s22] =	ssyncadd.s32 $0xFFFFFF80  }
0x41: {  	[tilespmem:s28], [sflag:$0x2] =	stream.indirect.gather [hbm4b:s4+s15], $0x20, s18, s15, $0xb8;
	[tilespmem:$0x8400] =	vst v63  }
0x42: {  	_ =	swait.ge [sflag:s22], $0x80  }
0x43: {  	[sflag:s22] =	ssyncset.done $0x0  }
0x44: {  	[sflag:s22] =	ssyncadd.s32 $0xFFFFFF80  }
0x45: {  	[tilespmem:s29], [sflag:$0x2] =	stream.indirect.gather [hbm4b:s4+s15], $0x20, s19, s15, $0xb8;
	[tilespmem:$0x8400] =	vst v63  }
0x46: {  	_ =	swait.ge [sflag:s22], $0x80  }
0x47: {  	[sflag:s22] =	ssyncset.done $0x0  }
0x48: {  	[sflag:s22] =	ssyncadd.s32 $0xFFFFFF80  }
0x49: {  	[tilespmem:s30], [sflag:$0x2] =	stream.indirect.gather [hbm4b:s4+s15], $0x20, s20, s15, $0xb8;
	[tilespmem:$0x8400] =	vst v63  }
0x4a: {  	_ =	swait.ge [sflag:s22], $0x80  }
0x4b: {  	[sflag:s22] =	ssyncset.done $0x0  }
0x4c: {  	[sflag:s22] =	ssyncadd.s32 $0xFFFFFF80  }
0x4d: {  	[tilespmem:s31], [sflag:$0x2] =	stream.indirect.gather [hbm4b:s4+s15], $0x20, s21, s15, $0xb8;
	[tilespmem:$0x8400] =	vst v63  }
0x4e: {  	_ =	swait.ge [sflag:s1], $0x1000  }
0x4f: {  	[sflag:s1] =	ssyncset.done $0x0  }
0x50: {  	s12 =	rddreg [dreg:$0xa];
	[sflag:s1] =	ssyncadd.s32 $0xFFFFF000  }
0x51: {  	s5 =	rddreg [dreg:$0x1]  }
0x52: {  	p0 =	por $0x0, $0x0;
	s7 =	rddreg [dreg:$0x3];
	s2 =	sadd.s32 s5, s12  }
0x53: {  	[hbm4b:s2+s3] =	stream.linear.scatter [tilespmem:s23], [sflag:$0x3], $0x1000, $0x38;
	[tilespmem:$0x8400] =	vst v63  }
0x54: {  	s7 =	sadd.s32 @!p0 $0x0, s7;
	s2 =	simm.s32 @!p0 $0x0  }
0x55: {  	[tilespmem:s2], [sflag:$0x1] =	stream.linear.gather @!p0 [hbm4b:s7+s2], $0x80, $0x38;
	[tilespmem:$0x8400] =	vst v63  }
0x56: {  	_ =	swait.ge [sflag:s1], $0x1000  }
0x57: {  	s10 =	sadd.s32 s5, s9;
	[sflag:s1] =	ssyncset.done $0x0  }
0x58: {  	s11 =	sadd.s32 $0x200, s10;
	[sflag:s1] =	ssyncadd.s32 $0xFFFFF000  }
0x59: {  	[hbm4b:s11+s3] =	stream.linear.scatter [tilespmem:s24], [sflag:$0x3], $0x1000, $0x38;
	[tilespmem:$0x8400] =	vst v63  }
0x5a: {  	s12 =	simm.s32 @!p0 $0x80;
	s11 =	sadd.s32 @!p0 $0x10, s7  }
0x5b: {  	[tilespmem:s12], [sflag:$0x1] =	stream.linear.gather @!p0 [hbm4b:s11+s2], $0x80, $0x38;
	[tilespmem:$0x8400] =	vst v63  }
0x5c: {  	_ =	swait.ge [sflag:s1], $0x1000  }
0x5d: {  	s13 =	rddreg [dreg:$0x9];
	[sflag:s1] =	ssyncset.done $0x0  }
0x5e: {  	s12 =	rddreg [dreg:$0x8];
	[sflag:s1] =	ssyncadd.s32 $0xFFFFF000;
	s11 =	sadd.s32 s5, s13  }
0x5f: {  	[hbm4b:s11+s3] =	stream.linear.scatter [tilespmem:s25], [sflag:$0x3], $0x1000, $0x38;
	[tilespmem:$0x8400] =	vst v63  }
0x60: {  	s11 =	sadd.s32 @!p0 $0x0, s12;
	s12 =	simm.s32 @!p0 $0x100  }
0x61: {  	[tilespmem:s12], [sflag:$0x1] =	stream.linear.gather @!p0 [hbm4b:s11+s2], $0x80, $0x38;
	[tilespmem:$0x8400] =	vst v63  }
0x62: {  	_ =	swait.ge [sflag:s1], $0x1000  }
0x63: {  	[sflag:s1] =	ssyncset.done $0x0  }
0x64: {  	s14 =	sadd.s32 $0x600, s10;
	[sflag:s1] =	ssyncadd.s32 $0xFFFFF000  }
0x65: {  	[hbm4b:s14+s3] =	stream.linear.scatter [tilespmem:s26], [sflag:$0x3], $0x1000, $0x38;
	[tilespmem:$0x8400] =	vst v63  }
0x66: {  	s11 =	sadd.s32 @!p0 $0x30, s7;
	s12 =	simm.s32 @!p0 $0x180  }
0x67: {  	[tilespmem:s12], [sflag:$0x1] =	stream.linear.gather @!p0 [hbm4b:s11+s2], $0x80, $0x38;
	[tilespmem:$0x8400] =	vst v63  }
0x68: {  	_ =	swait.ge [sflag:s1], $0x1000  }
0x69: {  	s8 =	rddreg [dreg:$0x7];
	[sflag:s1] =	ssyncset.done $0x0  }
0x6a: {  	s12 =	rddreg [dreg:$0x6];
	[sflag:s1] =	ssyncadd.s32 $0xFFFFF000;
	s11 =	sadd.s32 s5, s8  }
0x6b: {  	[hbm4b:s11+s3] =	stream.linear.scatter [tilespmem:s28], [sflag:$0x3], $0x1000, $0x38;
	[tilespmem:$0x8400] =	vst v63  }
0x6c: {  	s11 =	sadd.s32 @!p0 $0x0, s12;
	s12 =	simm.s32 @!p0 $0x200  }
0x6d: {  	[tilespmem:s12], [sflag:$0x1] =	stream.linear.gather @!p0 [hbm4b:s11+s2], $0x80, $0x38;
	[tilespmem:$0x8400] =	vst v63  }
0x6e: {  	_ =	swait.ge [sflag:s1], $0x1000  }
0x6f: {  	[sflag:s1] =	ssyncset.done $0x0  }
0x70: {  	s13 =	sadd.s32 $0xA00, s10;
	[sflag:s1] =	ssyncadd.s32 $0xFFFFF000  }
0x71: {  	[hbm4b:s13+s3] =	stream.linear.scatter [tilespmem:s29], [sflag:$0x3], $0x1000, $0x38;
	[tilespmem:$0x8400] =	vst v63  }
0x72: {  	s11 =	sadd.s32 @!p0 $0x50, s7;
	s12 =	simm.s32 @!p0 $0x280  }
0x73: {  	[tilespmem:s12], [sflag:$0x1] =	stream.linear.gather @!p0 [hbm4b:s11+s2], $0x80, $0x38;
	[tilespmem:$0x8400] =	vst v63  }
0x74: {  	_ =	swait.ge [sflag:s1], $0x1000  }
0x75: {  	s14 =	rddreg [dreg:$0x5];
	[sflag:s1] =	ssyncset.done $0x0  }
0x76: {  	s12 =	rddreg [dreg:$0x4];
	[sflag:s1] =	ssyncadd.s32 $0xFFFFF000;
	s11 =	sadd.s32 s5, s14  }
0x77: {  	[hbm4b:s11+s3] =	stream.linear.scatter [tilespmem:s30], [sflag:$0x3], $0x1000, $0x38;
	[tilespmem:$0x8400] =	vst v63  }
0x78: {  	s11 =	sadd.s32 @!p0 $0x0, s12;
	s12 =	simm.s32 @!p0 $0x300  }
0x79: {  	[tilespmem:s12], [sflag:$0x1] =	stream.linear.gather @!p0 [hbm4b:s11+s2], $0x80, $0x38;
	[tilespmem:$0x8400] =	vst v63  }
0x7a: {  	_ =	swait.ge [sflag:s1], $0x1000  }
0x7b: {  	[sflag:s1] =	ssyncset.done $0x0  }
0x7c: {  	s10 =	sadd.s32 $0xE00, s10;
	[sflag:s1] =	ssyncadd.s32 $0xFFFFF000  }
0x7d: {  	[hbm4b:s10+s3] =	stream.linear.scatter [tilespmem:s31], [sflag:$0x3], $0x1000, $0x38;
	[tilespmem:$0x8400] =	vst v63  }
0x7e: {  	s7 =	sadd.s32 @!p0 $0x70, s7;
	s10 =	simm.s32 @!p0 $0x380  }
0x7f: {  	[tilespmem:s10], [sflag:$0x1] =	stream.linear.gather @!p0 [hbm4b:s7+s2], $0x80, $0x38;
	[tilespmem:$0x8400] =	vst v63  }
0x80: {  	_ =	swait.ge [sflag:s0], $0x1000  }
0x81: {  	[sflag:s0] =	ssyncset.done $0x0  }
0x82: {  	[sflag:s0] =	ssyncadd.s32 $0xFFFFF000  }
0x83: {  	_ =	swait.ge [sflag:s0], $0x1000  }
0x84: {  	[sflag:s0] =	ssyncset.done $0x0  }
0x85: {  	[sflag:s0] =	ssyncadd.s32 $0xFFFFF000  }
0x86: {  	_ =	swait.ge [sflag:s0], $0x1000  }
0x87: {  	[sflag:s0] =	ssyncset.done $0x0  }
0x88: {  	[sflag:s0] =	ssyncadd.s32 $0xFFFFF000  }
0x89: {  	_ =	swait.ge [sflag:s0], $0x1000  }
0x8a: {  	[sflag:s0] =	ssyncset.done $0x0  }
0x8b: {  	[sflag:s0] =	ssyncadd.s32 $0xFFFFF000  }
0x8c: {  	_ =	swait.ge [sflag:s0], $0x1000  }
0x8d: {  	[sflag:s0] =	ssyncset.done $0x0  }
0x8e: {  	[sflag:s0] =	ssyncadd.s32 $0xFFFFF000  }
0x8f: {  	_ =	swait.ge [sflag:s0], $0x1000  }
0x90: {  	[sflag:s0] =	ssyncset.done $0x0  }
0x91: {  	[sflag:s0] =	ssyncadd.s32 $0xFFFFF000  }
0x92: {  	_ =	swait.ge [sflag:s0], $0x1000  }
0x93: {  	[sflag:s0] =	ssyncset.done $0x0  }
0x94: {  	[sflag:s0] =	ssyncadd.s32 $0xFFFFF000  }
0x95: {  	_ =	swait.ge [sflag:s0], $0x1000  }
0x96: {  	s7 =	simm.s32 $0x80;
	s2 =	smov.u32 s5;
	[sflag:s0] =	ssyncset.done $0x0  }
.LBB2_2:
0x97: {  	[sflag:s0] =	ssyncadd.s32 $0xFFFFF000  }
0x98: {  	_ =	swait.ge [sflag:s22], $0x80  }
0x99: {  	[sflag:s22] =	ssyncset.done $0x0  }
0x9a: {  	[sflag:s22] =	ssyncadd.s32 $0xFFFFFF80  }
0x9b: {  	[tilespmem:s23], [sflag:$0x2] =	stream.indirect.gather [hbm4b:s4+s15], $0x20, s3, s15, $0xb8;
	[tilespmem:$0x8400] =	vst v63  }
0x9c: {  	_ =	swait.ge [sflag:s22], $0x80  }
0x9d: {  	[sflag:s22] =	ssyncset.done $0x0  }
0x9e: {  	[sflag:s22] =	ssyncadd.s32 $0xFFFFFF80  }
0x9f: {  	[tilespmem:s24], [sflag:$0x2] =	stream.indirect.gather [hbm4b:s4+s15], $0x20, s15, s15, $0xb8;
	[tilespmem:$0x8400] =	vst v63  }
0xa0: {  	_ =	swait.ge [sflag:s22], $0x80  }
0xa1: {  	[sflag:s22] =	ssyncset.done $0x0  }
0xa2: {  	[sflag:s22] =	ssyncadd.s32 $0xFFFFFF80  }
0xa3: {  	[tilespmem:s25], [sflag:$0x2] =	stream.indirect.gather [hbm4b:s4+s15], $0x20, s16, s15, $0xb8;
	[tilespmem:$0x8400] =	vst v63  }
0xa4: {  	_ =	swait.ge [sflag:s22], $0x80  }
0xa5: {  	[sflag:s22] =	ssyncset.done $0x0  }
0xa6: {  	[sflag:s22] =	ssyncadd.s32 $0xFFFFFF80  }
0xa7: {  	[tilespmem:s26], [sflag:$0x2] =	stream.indirect.gather [hbm4b:s4+s15], $0x20, s17, s15, $0xb8;
	[tilespmem:$0x8400] =	vst v63  }
0xa8: {  	_ =	swait.ge [sflag:s22], $0x80  }
0xa9: {  	[sflag:s22] =	ssyncset.done $0x0  }
0xaa: {  	[sflag:s22] =	ssyncadd.s32 $0xFFFFFF80  }
0xab: {  	[tilespmem:s28], [sflag:$0x2] =	stream.indirect.gather [hbm4b:s4+s15], $0x20, s18, s15, $0xb8;
	[tilespmem:$0x8400] =	vst v63  }
0xac: {  	_ =	swait.ge [sflag:s22], $0x80  }
0xad: {  	[sflag:s22] =	ssyncset.done $0x0  }
0xae: {  	[sflag:s22] =	ssyncadd.s32 $0xFFFFFF80  }
0xaf: {  	[tilespmem:s29], [sflag:$0x2] =	stream.indirect.gather [hbm4b:s4+s15], $0x20, s19, s15, $0xb8;
	[tilespmem:$0x8400] =	vst v63  }
0xb0: {  	_ =	swait.ge [sflag:s22], $0x80  }
0xb1: {  	[sflag:s22] =	ssyncset.done $0x0  }
0xb2: {  	[sflag:s22] =	ssyncadd.s32 $0xFFFFFF80  }
0xb3: {  	[tilespmem:s30], [sflag:$0x2] =	stream.indirect.gather [hbm4b:s4+s15], $0x20, s20, s15, $0xb8;
	[tilespmem:$0x8400] =	vst v63  }
0xb4: {  	_ =	swait.ge [sflag:s22], $0x80  }
0xb5: {  	[sflag:s22] =	ssyncset.done $0x0  }
0xb6: {  	[sflag:s22] =	ssyncadd.s32 $0xFFFFFF80  }
0xb7: {  	[tilespmem:s31], [sflag:$0x2] =	stream.indirect.gather [hbm4b:s4+s15], $0x20, s21, s15, $0xb8;
	[tilespmem:$0x8400] =	vst v63  }
0xb8: {  	s2 =	sadd.s32 $0x1000, s2;
	s10 =	smov.u32 s7;
	_ =	swait.ge [sflag:s1], $0x1000  }
0xb9: {  	p1 =	seq.s32 s10, $0xC00;
	s11 =	rddreg [dreg:$0xa];
	[sflag:s1] =	ssyncset.done $0x0  }
0xba: {  	s12 =	rddreg [dreg:$0x3];
	[sflag:s1] =	ssyncadd.s32 $0xFFFFF000;
	s11 =	sadd.s32 s2, s11  }
0xbb: {  	[hbm4b:s11+s3] =	stream.linear.scatter [tilespmem:s23], [sflag:$0x3], $0x1000, $0x38;
	[tilespmem:$0x8400] =	vst v63  }
0xbc: {  	s14 =	sadd.s32 @!p1 s10, s12;
	s11 =	simm.s32 @!p1 $0x0  }
0xbd: {  	[tilespmem:s11], [sflag:$0x1] =	stream.linear.gather @!p1 [hbm4b:s14+s11], $0x80, $0x38;
	[tilespmem:$0x8400] =	vst v63  }
0xbe: {  	_ =	swait.ge [sflag:s1], $0x1000  }
0xbf: {  	s13 =	sadd.s32 s2, s9;
	[sflag:s1] =	ssyncset.done $0x0  }
0xc0: {  	s5 =	sadd.s32 $0x200, s13;
	[sflag:s1] =	ssyncadd.s32 $0xFFFFF000  }
0xc1: {  	[hbm4b:s5+s3] =	stream.linear.scatter [tilespmem:s24], [sflag:$0x3], $0x1000, $0x38;
	[tilespmem:$0x8400] =	vst v63  }
0xc2: {  	s8 =	simm.s32 @!p1 $0x80;
	s5 =	sadd.s32 @!p1 $0x10, s14  }
0xc3: {  	[tilespmem:s8], [sflag:$0x1] =	stream.linear.gather @!p1 [hbm4b:s5+s11], $0x80, $0x38;
	[tilespmem:$0x8400] =	vst v63  }
0xc4: {  	_ =	swait.ge [sflag:s1], $0x1000  }
0xc5: {  	s5 =	rddreg [dreg:$0x9];
	[sflag:s1] =	ssyncset.done $0x0  }
0xc6: {  	s8 =	rddreg [dreg:$0x8];
	[sflag:s1] =	ssyncadd.s32 $0xFFFFF000;
	s5 =	sadd.s32 s2, s5  }
0xc7: {  	[hbm4b:s5+s3] =	stream.linear.scatter [tilespmem:s25], [sflag:$0x3], $0x1000, $0x38;
	[tilespmem:$0x8400] =	vst v63  }
0xc8: {  	s5 =	sadd.s32 @!p1 s10, s8;
	s8 =	simm.s32 @!p1 $0x100  }
0xc9: {  	[tilespmem:s8], [sflag:$0x1] =	stream.linear.gather @!p1 [hbm4b:s5+s11], $0x80, $0x38;
	[tilespmem:$0x8400] =	vst v63  }
0xca: {  	_ =	swait.ge [sflag:s1], $0x1000  }
0xcb: {  	[sflag:s1] =	ssyncset.done $0x0  }
0xcc: {  	s8 =	sadd.s32 $0x600, s13;
	[sflag:s1] =	ssyncadd.s32 $0xFFFFF000  }
0xcd: {  	[hbm4b:s8+s3] =	stream.linear.scatter [tilespmem:s26], [sflag:$0x3], $0x1000, $0x38;
	[tilespmem:$0x8400] =	vst v63  }
0xce: {  	s5 =	sadd.s32 @!p1 $0x30, s14;
	s8 =	simm.s32 @!p1 $0x180  }
0xcf: {  	[tilespmem:s8], [sflag:$0x1] =	stream.linear.gather @!p1 [hbm4b:s5+s11], $0x80, $0x38;
	[tilespmem:$0x8400] =	vst v63  }
0xd0: {  	_ =	swait.ge [sflag:s1], $0x1000  }
0xd1: {  	s5 =	rddreg [dreg:$0x7];
	[sflag:s1] =	ssyncset.done $0x0  }
0xd2: {  	s8 =	rddreg [dreg:$0x6];
	[sflag:s1] =	ssyncadd.s32 $0xFFFFF000;
	s5 =	sadd.s32 s2, s5  }
0xd3: {  	[hbm4b:s5+s3] =	stream.linear.scatter [tilespmem:s28], [sflag:$0x3], $0x1000, $0x38;
	[tilespmem:$0x8400] =	vst v63  }
0xd4: {  	s5 =	sadd.s32 @!p1 s10, s8;
	s8 =	simm.s32 @!p1 $0x200  }
0xd5: {  	[tilespmem:s8], [sflag:$0x1] =	stream.linear.gather @!p1 [hbm4b:s5+s11], $0x80, $0x38;
	[tilespmem:$0x8400] =	vst v63  }
0xd6: {  	_ =	swait.ge [sflag:s1], $0x1000  }
0xd7: {  	[sflag:s1] =	ssyncset.done $0x0  }
0xd8: {  	s8 =	sadd.s32 $0xA00, s13;
	[sflag:s1] =	ssyncadd.s32 $0xFFFFF000  }
0xd9: {  	[hbm4b:s8+s3] =	stream.linear.scatter [tilespmem:s29], [sflag:$0x3], $0x1000, $0x38;
	[tilespmem:$0x8400] =	vst v63  }
0xda: {  	s5 =	sadd.s32 @!p1 $0x50, s14;
	s8 =	simm.s32 @!p1 $0x280  }
0xdb: {  	[tilespmem:s8], [sflag:$0x1] =	stream.linear.gather @!p1 [hbm4b:s5+s11], $0x80, $0x38;
	[tilespmem:$0x8400] =	vst v63  }
0xdc: {  	_ =	swait.ge [sflag:s1], $0x1000  }
0xdd: {  	s12 =	sadd.s32 @!p1 $0x70, s14;
	s14 =	rddreg [dreg:$0x5];
	[sflag:s1] =	ssyncset.done $0x0  }
0xde: {  	s8 =	rddreg [dreg:$0x4];
	[sflag:s1] =	ssyncadd.s32 $0xFFFFF000;
	s5 =	sadd.s32 s2, s14  }
0xdf: {  	[hbm4b:s5+s3] =	stream.linear.scatter [tilespmem:s30], [sflag:$0x3], $0x1000, $0x38;
	[tilespmem:$0x8400] =	vst v63  }
0xe0: {  	s5 =	sadd.s32 @!p1 s10, s8;
	s8 =	simm.s32 @!p1 $0x300  }
0xe1: {  	[tilespmem:s8], [sflag:$0x1] =	stream.linear.gather @!p1 [hbm4b:s5+s11], $0x80, $0x38;
	[tilespmem:$0x8400] =	vst v63  }
0xe2: {  	_ =	swait.ge [sflag:s1], $0x1000  }
0xe3: {  	[sflag:s1] =	ssyncset.done $0x0  }
0xe4: {  	s14 =	sadd.s32 $0xE00, s13;
	[sflag:s1] =	ssyncadd.s32 $0xFFFFF000  }
0xe5: {  	[hbm4b:s14+s3] =	stream.linear.scatter [tilespmem:s31], [sflag:$0x3], $0x1000, $0x38;
	[tilespmem:$0x8400] =	vst v63  }
0xe6: {  	s5 =	simm.s32 @!p1 $0x380  }
0xe7: {  	[tilespmem:s5], [sflag:$0x1] =	stream.linear.gather @!p1 [hbm4b:s12+s11], $0x80, $0x38;
	[tilespmem:$0x8400] =	vst v63  }
0xe8: {  	_ =	swait.ge [sflag:s0], $0x1000  }
0xe9: {  	[sflag:s0] =	ssyncset.done $0x0  }
0xea: {  	[sflag:s0] =	ssyncadd.s32 $0xFFFFF000  }
0xeb: {  	_ =	swait.ge [sflag:s0], $0x1000  }
0xec: {  	[sflag:s0] =	ssyncset.done $0x0  }
0xed: {  	[sflag:s0] =	ssyncadd.s32 $0xFFFFF000  }
0xee: {  	_ =	swait.ge [sflag:s0], $0x1000  }
0xef: {  	[sflag:s0] =	ssyncset.done $0x0  }
0xf0: {  	[sflag:s0] =	ssyncadd.s32 $0xFFFFF000  }
0xf1: {  	_ =	swait.ge [sflag:s0], $0x1000  }
0xf2: {  	[sflag:s0] =	ssyncset.done $0x0  }
0xf3: {  	[sflag:s0] =	ssyncadd.s32 $0xFFFFF000  }
0xf4: {  	_ =	swait.ge [sflag:s0], $0x1000  }
0xf5: {  	[sflag:s0] =	ssyncset.done $0x0  }
0xf6: {  	[sflag:s0] =	ssyncadd.s32 $0xFFFFF000  }
0xf7: {  	_ =	swait.ge [sflag:s0], $0x1000  }
0xf8: {  	s7 =	sadd.s32 $0x80, s7;
	[sflag:s0] =	ssyncset.done $0x0  }
0xf9: {  	p0 =	sne.s32 s7, $0xC80;
	[sflag:s0] =	ssyncadd.s32 $0xFFFFF000  }
.Ltmp0:
0xfa: {  	_ =	swait.ge [sflag:s0], $0x1000;
	(pc) =	sbr.rel @p0 .LBB2_2-.Ltmp0, $4  }
0xfb: {  	[sflag:s0] =	ssyncset.done $0x0  }
0xfc: {  	[sflag:s0] =	ssyncadd.s32 $0xFFFFF000  }
0xfd: {  	_ =	swait.ge [sflag:s0], $0x1000  }
0xfe: {  	[sflag:s0] =	ssyncset.done $0x0  }
0xff: {  	s6 =	sadd.s32 $0x1, s6;
	s2 =	rddreg [dreg:$0x13]  }
0x100: {  	p0 =	sne.s32 s6, s2  }
.Ltmp1:
0x101: {  	_ = 	snop;
	(pc) =	sbr.rel @p0 .LBB2_1-.Ltmp1, $2  }
0x102: {  	_ =	sdelay $0x2  }
0x103: {  	[sflag:s0] =	ssyncadd.s32 $0xFFFFF000  }
0x104: {  	_ =	sfence.sel $0x180000  }
0x105: {  	[bflag:$0x0] =	sbarrier.arrive $0xFFFF  }
0x106: {  	_ =	strace $0x90000047  }
0x107: {  	s0 =	stileid.u32;
	[bflag:$0x2] =	sbarrier.arrive $0xFFFF  }
0x108: {  	p0 =	sne.s32 s0, $0x0;
	s0 =	rddreg [dreg:$0x2]  }
0x109: {  	s0 =	sadd.s32 @!p0 $0x100000, s0  }
0x10a: {  	[sflag:s0] =	ssyncadd.tile.s32 @!p0 $0x1;
	_ =	shalt  }
.Lfunc_end2:
_tile_overlayer_lowered:
.L_overlay_start_2:
0x10b: {  	(tag) =	ssettag $0x2  }
0x10c: {  	s0 =	rddreg [dreg:$0x0];
	s2 =	stileid.u32  }
0x10d: {  	s1 =	rddreg [dreg:$0x1];
	p0 =	sne.s32 s2, $0x0  }
0x10e: {  	s3 =	rddreg [dreg:$0x2];
	[bflag:$0x3] =	sbarrier.arrive $0xFFFF;
	s2 =	simm.s32 @!p0 $0x1C04  }
0x10f: {  	[timem:s3], [sflag:s2] =	dma.local @!p0 [hbm:s0], s1  }
0x110: {  	s0 =	simm.s32 @!p0 $0x4  }
0x111: {  	_ =	swait.ge @!p0 [sflag:s0], s1  }
0x112: {  	s1 =	ssub.s32 @!p0 $0x0, s1;
	[sflag:s0] =	ssyncset.done @!p0 $0x0  }
0x113: {  	[sflag:s0] =	ssyncadd.s32 @!p0 s1  }
0x114: {  	[bflag:$0x3] =	sbarrier.arrive $0xFFFF  }
0x115: {  	_ =	shalt  }

// kernel: sparse-core-data-format-call.cloned.1.call-start
scs
called_computation_lowered:
.L_overlay_start_0:
0x0: {  	s2 =	sld [smem:$0x3FD9]  }
0x1: {  	s3 =	sld [smem:$0x3FFE];
	_ =	sdelay $0x1  }
0x2: {  	s1 =	srdreg.scid  }
0x3: {  	s0 =	sand.u32 $0x1, s1  }
0x4: {  	s18 =	sshll.u32 s0, $0xA;
	s2 =	sadd.s32 s3, s2  }
0x5: {  	s2 =	sadd.s32 s2, s18  }
0x6: {  	[smem:$0x3FC6] =	sst s2  }
0x7: {  	_ = 	snop  }
0x8: {  	s2 =	sld [smem:$0x3FD0];
	(tm) =	ssettm $0x1  }
0x9: {  	s19 =	sld [smem:$0x3FFB];
	_ =	sdelay $0x3  }
0xa: {  	_ =	strace s19  }
0xb: {  	s3 =	sld [smem:$0x3FFC];
	_ =	sdelay $0x3  }
0xc: {  	_ =	strace s3  }
0xd: {  	s3 =	sld [smem:$0x3FFD];
	_ =	sdelay $0x3  }
0xe: {  	_ =	strace s3  }
0xf: {  	_ =	strace $0x8FFFFFFF  }
0x10: {  	s20 =	sld [smem:$0x3FDB];
	_ =	sdelay $0x1  }
0x11: {  	s4 =	simm.s32 $_scs_section_size  }
0x12: {  	s5 =	simm.s32 $_size__tile_overlayer_lowered;
	s6 =	simm.s32 $_tile_overlayer_lowered  }
0x13: {  	s23 =	simm.s32 $0x1BFF;
	s22 =	sshll.u32 s6, $0x1;
	s3 =	sadd.s32 s4, s20  }
0x14: {  	s7 =	simm.s32 $0x0;
	s21 =	sshll.u32 s5, $0x1;
	s5 =	sadd.s32 s22, s3  }
0x15: {  	[timem:s7], [sflag:s23] =	dma.local [hbm:s5], s21  }
0x16: {  	_ =	swait.ge [sflag:s23], s21  }
0x17: {  	s4 =	ssub.s32 $0x0, s21;
	[sflag:s23] =	ssyncset.done $0x0  }
0x18: {  	[sflag:s23] =	ssyncadd.s32 s4;
	_ =	sdelay $0x1  }
0x19: {  	s24 =	simm.s32 $0x1B8B  }
0x1a: {  	_ =	swait.ge [sflag:s24], $0x1  }
0x1b: {  	[sflag:s24] =	ssyncset.done $0x0  }
0x1c: {  	s26 =	simm.s32 $0x1B8E;
	s25 =	sld [smem:$0x3FFE];
	[sflag:s24] =	ssyncadd.s32 $0xFFFFFFFF  }
0x1d: {  	s27 =	simm.s32 $execute0_lowered;
	[smem:$0x3FD2] =	sst s26  }
0x1e: {  	s5 =	sshll.u32 s27, $0x1;
	_ =	strace $0x80000049;
	[dreg:$0x1] =	wrdreg $0xFFFFFFFF  }
0x1f: {  	s28 =	simm.s32 $_size_execute0_lowered;
	s3 =	sadd.s32 s3, s5;
	[dreg:$0x0] =	wrdreg $0x0  }
0x20: {  	s5 =	sshll.u32 s28, $0x1;
	[dreg:$0x2] =	wrdreg s3  }
0x21: {  	[dreg:$0x3] =	wrdreg s5  }
0x22: {  	[dreg:$0x4] =	wrdreg $0xC0  }
0x23: {  	_ =	task [dreg:s7], $0x5FFFF  }
0x24: {  	[dreg:$0x1] =	wrdreg $0xFFFFFFFF  }
0x25: {  	[dreg:$0x0] =	wrdreg $0x60  }
0x26: {  	[dreg:$0x2] =	wrdreg s25  }
0x27: {  	[dreg:$0x3] =	wrdreg s2  }
0x28: {  	[dreg:$0x4] =	wrdreg $0x9  }
0x29: {  	_ =	task.clear_ibuf [dreg:s7], $0x5FFFF;
	_ =	strace $0x90000049  }
0x2a: {  	s29 =	simm.s32 $0x9;
	_ =	strace $0x8000004B  }
0x2b: {  	_ =	swait.ge [sflag:s29], $0x1  }
0x2c: {  	[sflag:s29] =	ssyncadd.s32 $0xFFFFFFFF  }
0x2d: {  	_ =	strace $0x9000004B  }
0x2e: {  	_ =	sfence  }
0x2f: {  	s30 =	sld [smem:$0x0];
	_ =	sdelay $0x2  }
0x30: {  	s31 =	sshll.u32 s1, $0xD;
	s1 =	sshrl.u32 s1, $0x2  }
0x31: {  	s3 =	sand.u32 $0x4000, s31;
	s1 =	sadd.s32 s1, s30  }
0x32: {  	s0 =	sor.u32 s3, s0;
	s1 =	sshll.u32 s1, $0x11  }
0x33: {  	s0 =	sor.u32 s1, s0  }
0x34: {  	s0 =	sadd.s32 $0x8F2B, s0  }
0x35: {  	[sflag:s0] =	ssyncadd.remote.s32 $0x1  }
0x36: {  	_ =	sfence.sel $0xFFFF  }
0x37: {  	[dreg:$0x0] =	wrdreg $0xFFFFFFFF;
	(pc) =	sbr.abs _section_cstart, $3  }
0x38: {  	[dreg:$0x1] =	wrdreg $0xFFFFFFFF  }
0x39: {  	_ =	task.clear_ibuf [dreg:s7], $0x2FFFF;
	_ =	strace $0x9FFFFFFF  }
0x3a: {  	(tm) =	ssettm $0x7FFFFFFF  }
0x3b: {  	_ =	shalt  }
tec
execute0_lowered:
.L_overlay_start_1:
0x0: {  	(tag) =	ssettag $0x1  }
0x1: {  	s0 =	srdreg.scid  }
0x2: {  	s1 =	sshll.u32 s0, $0x4  }
0x3: {  	s0 =	stileid.u32;
	s1 =	sand.u32 $0x10, s1  }
0x4: {  	s7 =	rddreg [dreg:$0x0];
	s1 =	sor.u32 s0, s1  }
0x5: {  	s4 =	simm.s32 $0x1;
	s8 =	simm.s32 $0x2;
	s2 =	sshll.u32 s1, $0x7  }
0x6: {  	s13 =	simm.s32 $0x0;
	s9 =	simm.s32 $0x20000;
	s1 =	ssub.s32 $0x4000, s2  }
0x7: {  	s14 =	simm.s32 $0x0;
	s11 =	simm.s32 $0x0;
	s3 =	sand.u32 $0xF80, s1  }
0x8: {  	s12 =	simm.s32 $0x0;
	s5 =	sshrl.u32 s1, $0xC;
	p0 =	sne.s32 s3, $0x0  }
.Ltmp0:
0x9: {  	s1 =	rddreg [dreg:$0x2];
	s4 =	simm.s32 @!p0 $0x0;
	(pc) =	sbr.rel .LBB1_1-.Ltmp0, $4  }
0xa: {  	s6 =	sadd.s32 $0xA00, s7;
	s3 =	rddreg [dreg:$0x1];
	s5 =	sadd.s32 s4, s5  }
0xb: {  	_ =	strace $0x8000004A;
	s4 =	simm.s32 $0x1;
	s5 =	smul.u32 $0x19, s5  }
0xc: {  	s7 =	sadd.s32 $0x40A00, s7;
	s10 =	smov.u32 s2;
	[sflag:s4] =	ssyncpa.u1 $0x0  }
0xd: {  	p0 =	por $0x0, $0x0;
	[sflag:s8] =	ssyncpa.u1 $0x0;
	s8 =	sadd.s32 $0x1, s5  }
.LBB1_7:
0xe: {  	s15 =	sadd.s32 $0x1000, s10  }
0xf: {  	s13 =	sadd.s32 $0x2, s11;
	s17 =	smov.u32 s11;
	p2 =	sgt.s32 s15, $0x3FFF  }
0x10: {  	s17 =	smov.u32 @p2 s13  }
0x11: {  	s15 =	smov.u32 @p2 s2;
	p2 =	sgt.s32 s17, $0x31  }
0x12: {  	s17 =	simm.s32 @p2 $0x0;
	p2 =	sne.s32 s12, s8  }
.Ltmp1:
0x13: {  	p1 =	slt.u32 s12, $0x2;
	(pc) =	sbr.rel @!p2 .LBB1_8-.Ltmp1, $4  }
0x14: {  	s16 =	simm.s32 @!p1 $0x2  }
0x15: {  	s14 =	smov.u32 s11;
	p0 =	por !p0, !p0;
	_ =	swait.ge @!p1 [sflag:s16], $0x2000  }
0x16: {  	s13 =	smov.u32 s10;
	[sflag:s16] =	ssyncset.done @!p1 $0x0;
	s10 =	smov.u32 s15  }
0x17: {  	s12 =	sadd.s32 $0x1, s12;
	[sflag:s16] =	ssyncadd.s32 @!p1 $0xFFFFE000;
	s11 =	smov.u32 s17  }
.LBB1_1:
0x18: {  	p1 =	sge.u32 s12, s5  }
0x19: {  	s15 =	sxor.u32 @!p1 $0xFFFFFFFF, s12;
	s16 =	sshll.u32 @!p1 s11, $0x12  }
0x1a: {  	s17 =	sshll.u32 @!p1 s10, $0x4;
	s19 =	simm.s32 @!p1 $0x20;
	s20 =	simm.s32 @!p1 $0x80  }
0x1b: {  	s15 =	sshll.u32 @!p1 s15, $0xD;
	s17 =	sand.u32 @!p1 $0x3FFF0, s17;
	s18 =	sadd.s32 @!p1 s6, s16  }
0x1c: {  	s16 =	sadd.s32 @!p1 s16, s7;
	s15 =	sand.u32 @!p1 $0x2000, s15;
	s18 =	sadd.s32 @!p1 s17, s18  }
0x1d: {  	[tilespmem:s15], [sflag:$0x1] =	stream.strided.gather @!p1 [hbm4b:s18+s19], $0x1000, s20, s19, $0x38;
	[tilespmem:$0x8080] =	vst v63  }
0x1e: {  	s31 =	sadd.s32 $0xFFFFFFFF, s12;
	s16 =	sadd.s32 @!p1 s17, s16;
	s15 =	sor.u32 @!p1 $0x1000, s15  }
0x1f: {  	[tilespmem:s15], [sflag:$0x1] =	stream.strided.gather @!p1 [hbm4b:s16+s19], $0x1000, s20, s19, $0x38;
	[tilespmem:$0x8080] =	vst v63  }
0x20: {  	p1 =	sge.u32 s31, s5  }
.Ltmp2:
0x21: {  	_ = 	snop;
	(pc) =	sbr.rel @p1 .LBB1_7-.Ltmp2, $1  }
0x22: {  	_ =	sdelay $0x3  }
0x23: {  	s15 =	simm.s32 $0x1;
	s17 =	sand.u32 $0x1, s12  }
0x24: {  	_ =	swait.ge [sflag:s4], $0x2000;
	s15 =	simm.s32 @!p0 $0x0;
	s17 =	smul.u32 $0x8100, s17  }
0x25: {  	p2 =	por $0x1, $0x1;
	[sflag:s4] =	ssyncset.done $0x0;
	s16 =	smul.u32 $0x8100, s15  }
0x26: {  	s18 =	sshll.u32 s15, $0xF;
	[sflag:s4] =	ssyncadd.s32 $0xFFFFE000;
	s30 =	sshrl.u32 s17, $0x2  }
0x27: {  	s31 =	sshrl.u32 s18, $0x2;
	s18 =	simm.s32 $0x0;
	s16 =	sshrl.u32 s16, $0x2  }
0x28: {  	s15 =	sor.u32 $0x4000, s30;
	s17 =	sadd.s32 $0x10, s31;
	s16 =	sor.u32 $0x4000, s16  }
.LBB1_3:
0x29: {  	s19 =	sshll.u32 s18, $0xC  }
0x2a: {  	s19 =	sand.u32 $0x3FFFF000, s19  }
0x2b: {  	s20 =	sadd.s32 s19, s17  }
0x2c: {  	s31 =	smul.u32 $0x4080, s18;
	v1 =	vld [tilespmem:s20+$0x0]  }
0x2d: {  	v0 =	vld [tilespmem:s20+$0xFFFFFFF0]  }
0x2e: {  	s18 =	sshra.s32 s31, $0x2  }
0x2f: {  	s18 =	sadd.s32 s18, s16  }
0x30: {  	s21 =	sadd.s32 $0x0, s18  }
0x31: {  	p1 =	por p2, p2;
	s19 =	simm.s32 $0x4;
	s20 =	sadd.s32 $0x20, s20;
	[tilespmem:s21+$0x810 ss:$0x81] =	vst.msk $0xffff, v1  }
.LBB1_4:
0x32: {  	v1 =	vld [tilespmem:s20+$0x0];
	p2 =	sne.s32 s19, $0x1FC;
	[tilespmem:s21+$0x0 ss:$0x81] =	vst.msk $0xffff, v0;
	s21 =	smov.u32 s19;
	s19 =	sadd.s32 $0x4, s19  }
.Ltmp3:
0x33: {  	v0 =	vld [tilespmem:s20+$0xFFFFFFF0];
	(pc) =	sbr.rel @p2 .LBB1_4-.Ltmp3, $4  }
0x34: {  	_ = 	snop  }
0x35: {  	s21 =	sshra.s32 s21, $0x2  }
0x36: {  	s21 =	sadd.s32 s21, s18  }
0x37: {  	s20 =	sadd.s32 $0x20, s20;
	[tilespmem:s21+$0x810 ss:$0x81] =	vst.msk $0xffff, v1  }
.Ltmp4:
0x38: {  	(pc) =	sbr.rel @p1 .LBB1_3-.Ltmp4, $2  }
0x39: {  	_ =	sdelay $0x2  }
0x3a: {  	[tilespmem:s21+$0x0 ss:$0x81] =	vst.msk $0xffff, v0;
	s18 =	simm.s32 $0x1;
	p2 =	por $0x0, $0x0  }
0x3b: {  	s16 =	sshll.u32 s13, $0x3;
	s17 =	sand.u32 $0x78, s13;
	s14 =	sshll.u32 s14, $0x10  }
.Ltmp5:
0x3c: {  	s30 =	sand.u32 $0xF800, s13;
	s16 =	sand.u32 $0x3C00, s16;
	(pc) =	sbr.rel .LBB1_7-.Ltmp5, $4  }
0x3d: {  	s31 =	sand.u32 $0x7, s13;
	s14 =	sadd.s32 s3, s14;
	s16 =	sor.u32 s17, s16  }
0x3e: {  	s13 =	sshll.u32 s31, $0x12;
	s14 =	sadd.s32 s30, s14;
	s16 =	sshrl.u32 s16, $0x3  }
0x3f: {  	s13 =	sor.u32 $0x400, s13;
	s14 =	sadd.s32 s16, s14  }
0x40: {  	[hbm4b:s14+s13] =	stream.strided.scatter [tilespmem:s15], [sflag:$0x2], $0x2000, s9, s13, $0x20;
	[tilespmem:$0x8080] =	vst v63  }
.LBB1_8:
0x41: {  	_ =	sfence.sel $0x180000  }
0x42: {  	s2 =	simm.s32 $0x1;
	[bflag:$0x0] =	sbarrier.arrive $0xFFFF  }
0x43: {  	s31 =	simm.s32 $0x2;
	[sflag:s2] =	ssyncpa.u1 $0x1  }
0x44: {  	[sflag:s31] =	ssyncpa.u1 $0x1  }
0x45: {  	p0 =	sne.s32 s0, $0x0;
	_ =	strace $0x9000004A  }
0x46: {  	s0 =	sadd.s32 @!p0 $0x100000, s1;
	[bflag:$0x2] =	sbarrier.arrive $0xFFFF  }
0x47: {  	[sflag:s0] =	ssyncadd.tile.s32 @!p0 $0x1;
	_ =	shalt  }
.Lfunc_end1:
_tile_overlayer_lowered:
.L_overlay_start_2:
0x48: {  	(tag) =	ssettag $0x2  }
0x49: {  	s0 =	rddreg [dreg:$0x0];
	s2 =	stileid.u32  }
0x4a: {  	s1 =	rddreg [dreg:$0x1];
	p0 =	sne.s32 s2, $0x0  }
0x4b: {  	s3 =	rddreg [dreg:$0x2];
	[bflag:$0x3] =	sbarrier.arrive $0xFFFF;
	s2 =	simm.s32 @!p0 $0x1C01  }
0x4c: {  	[timem:s3], [sflag:s2] =	dma.local @!p0 [hbm:s0], s1  }
0x4d: {  	s0 =	simm.s32 @!p0 $0x1  }
0x4e: {  	_ =	swait.ge @!p0 [sflag:s0], s1  }
0x4f: {  	s1 =	ssub.s32 @!p0 $0x0, s1;
	[sflag:s0] =	ssyncset.done @!p0 $0x0  }
0x50: {  	[sflag:s0] =	ssyncadd.s32 @!p0 s1  }
0x51: {  	[bflag:$0x3] =	sbarrier.arrive $0xFFFF  }
0x52: {  	_ =	shalt  }

</sc_bundles>
